<compile_context>
chip_gen: v7x
topology: tpu7x:2x2x1
jax: 0.10.2.dev20260603
libtpu: 0.0.44.dev20260713+nightly
codegen_flags: <defaults>
</compile_context>

<pallas_src>
import functools

import jax
import jax.numpy as jnp
from jax import lax
from jax.experimental import pallas as pl
from jax.experimental.pallas import tpu as pltpu
from jax.experimental.pallas import tpu_sc as plsc

N = 10000
E = 320000
D = 128
NC = 2
NS = 16
NW = NC * NS
K = 128
NB_AGG = 80
PH = 2
NB_PH = NB_AGG // PH
NB_DEG = 160
E_PAD = NW * NB_AGG * K
NACC = 10112
RPT = NACC // NS
NBUF = 2
ROWB = 1000


def _mesh():
    return plsc.VectorSubcoreMesh(
        core_axis_name="c", subcore_axis_name="s", num_cores=NC, num_subcores=NS
    )


def _splat16(x):
    return jnp.full((16,), x, dtype=jnp.int32)


def _deg_body(dst_hbm, deg_out_hbm, acc, dst_v, ones_v, zbuf, deg_v, out_v):
    c = lax.axis_index("c")
    s = lax.axis_index("s")

    @pl.when(c == 0)
    def _():
        one = jnp.ones((16,), jnp.float32)
        zero = jnp.zeros((16,), jnp.float32)
        for i in range(K // 16):
            ones_v[pl.ds(16 * i, 16)] = one
        for i in range(RPT // 16):
            zbuf[pl.ds(16 * i, 16)] = zero
        zbuf[pl.ds(RPT - 16, 16)] = zero
        pltpu.sync_copy(zbuf, acc.at[pl.ds(RPT * s, RPT)])
        pltpu.sync_copy(dst_hbm.at[s], dst_v)
        plsc.subcore_barrier()

        def scat(j, carry):
            pltpu.sync_copy(ones_v, acc.at[dst_v.at[j]], add=True)
            return carry

        lax.fori_loop(0, NB_DEG, scat, 0)
        plsc.subcore_barrier()

        pltpu.sync_copy(acc.at[pl.ds(RPT * s, RPT)], deg_v)

        lanes = lax.broadcasted_iota(jnp.int32, (16,), 0)

        def rep(r, carry):
            sp = plsc.load_gather(deg_v, [_splat16(r)])
            for k8 in range(D // 16):
                plsc.store_scatter(out_v, [_splat16(r), lanes + 16 * k8], sp)
            return carry

        lax.fori_loop(0, RPT, rep, 0)
        pltpu.sync_copy(out_v, deg_out_hbm.at[pl.ds(RPT * s, RPT)])


@functools.cache
def _deg_kernel():
    return pl.kernel(
    _deg_body,
    out_type=jax.ShapeDtypeStruct((NACC, D), jnp.float32),
    mesh=_mesh(),
    compiler_params=pltpu.CompilerParams(needs_layout_passes=False),
    scratch_types=[
        pltpu.VMEM_SHARED((NACC,), jnp.float32),
        pltpu.VMEM((NB_DEG, K), jnp.int32),
        pltpu.VMEM((K,), jnp.float32),
        pltpu.VMEM((RPT,), jnp.float32),
        pltpu.VMEM((RPT,), jnp.float32),
        pltpu.VMEM((RPT, D), jnp.float32),
    ],
    )


def _agg_body(y_hbm, src_hbm, dst_hbm, zeros_hbm, out_hbm,
              acc, src_v, dst_v, bufs, sems):
    c = lax.axis_index("c")
    s = lax.axis_index("s")
    w = c * NS + s

    pltpu.sync_copy(zeros_hbm.at[pl.ds(RPT * s, RPT)], acc.at[pl.ds(RPT * s, RPT)])
    plsc.subcore_barrier()

    for ph in range(PH):
        pltpu.sync_copy(src_hbm.at[w, pl.ds(ph * NB_PH, NB_PH)], src_v)
        pltpu.sync_copy(dst_hbm.at[w, pl.ds(ph * NB_PH, NB_PH)], dst_v)

        for b in range(NBUF):
            pltpu.async_copy(y_hbm.at[src_v.at[b]], bufs[b], sems[b])

        def outer(j, carry):
            for b in range(NBUF):
                jj = j * NBUF + b
                pltpu.make_async_copy(
                    y_hbm.at[src_v.at[jj]], bufs[b], sems[b]).wait()
                pltpu.sync_copy(bufs[b], acc.at[dst_v.at[jj]], add=True)

                @pl.when(jj + NBUF < NB_PH)
                def _():
                    pltpu.async_copy(
                        y_hbm.at[src_v.at[jj + NBUF]], bufs[b], sems[b])

            return carry

        lax.fori_loop(0, NB_PH // NBUF, outer, 0)

    plsc.subcore_barrier()
    pltpu.sync_copy(acc.at[pl.ds(RPT * s, RPT)],
                    out_hbm.at[c, pl.ds(RPT * s, RPT)])


@functools.cache
def _agg_kernel():
    return pl.kernel(
    _agg_body,
    out_type=jax.ShapeDtypeStruct((NC, NACC, D), jnp.float32),
    mesh=_mesh(),
    compiler_params=pltpu.CompilerParams(needs_layout_passes=False),
    scratch_types=[
        pltpu.VMEM_SHARED((NACC, D), jnp.float32),
        pltpu.VMEM((NB_PH, K), jnp.int32),
        pltpu.VMEM((NB_PH, K), jnp.int32),
        [pltpu.VMEM((K, D), jnp.float32) for _ in range(NBUF)],
        [pltpu.SemaphoreType.DMA for _ in range(NBUF)],
    ],
    )


def _dinv(deg_ref):
    return lax.rsqrt(deg_ref[...] + 1.0)


def _mm_scale_body(x_ref, w_ref, deg_ref, o_ref):
    xw = jnp.dot(x_ref[...], w_ref[...], preferred_element_type=jnp.float32)
    o_ref[...] = xw * _dinv(deg_ref)


def _mm_scale(x, w, dinv):
    return pl.pallas_call(
        _mm_scale_body,
        grid=(N // ROWB,),
        in_specs=[
            pl.BlockSpec((ROWB, D), lambda i: (i, 0)),
            pl.BlockSpec((D, D), lambda i: (0, 0)),
            pl.BlockSpec((ROWB, D), lambda i: (i, 0)),
        ],
        out_specs=pl.BlockSpec((ROWB, D), lambda i: (i, 0)),
        out_shape=jax.ShapeDtypeStruct((N, D), jnp.float32),
    )(x, w, dinv)


def _mid_body(p_ref, y_ref, deg_ref, b_ref, w_ref, o_ref):
    dinv = _dinv(deg_ref)
    agg = p_ref[0] + p_ref[1] + y_ref[...]
    h = jnp.maximum(agg * dinv + b_ref[...], 0.0)
    hw = jnp.dot(h, w_ref[...], preferred_element_type=jnp.float32)
    o_ref[...] = hw * dinv


def _mid(partials, y, dinv, b1, w2):
    return pl.pallas_call(
        _mid_body,
        grid=(N // ROWB,),
        in_specs=[
            pl.BlockSpec((NC, ROWB, D), lambda i: (0, i, 0)),
            pl.BlockSpec((ROWB, D), lambda i: (i, 0)),
            pl.BlockSpec((ROWB, D), lambda i: (i, 0)),
            pl.BlockSpec((1, D), lambda i: (0, 0)),
            pl.BlockSpec((D, D), lambda i: (0, 0)),
        ],
        out_specs=pl.BlockSpec((ROWB, D), lambda i: (i, 0)),
        out_shape=jax.ShapeDtypeStruct((N, D), jnp.float32),
    )(partials, y, dinv, b1, w2)


def _final_body(p_ref, y_ref, deg_ref, b_ref, o_ref):
    agg = p_ref[0] + p_ref[1] + y_ref[...]
    o_ref[...] = agg * _dinv(deg_ref) + b_ref[...]


def _final(partials, y, dinv, b2):
    return pl.pallas_call(
        _final_body,
        grid=(N // ROWB,),
        in_specs=[
            pl.BlockSpec((NC, ROWB, D), lambda i: (0, i, 0)),
            pl.BlockSpec((ROWB, D), lambda i: (i, 0)),
            pl.BlockSpec((ROWB, D), lambda i: (i, 0)),
            pl.BlockSpec((1, D), lambda i: (0, 0)),
        ],
        out_specs=pl.BlockSpec((ROWB, D), lambda i: (i, 0)),
        out_shape=jax.ShapeDtypeStruct((N, D), jnp.float32),
    )(partials, y, dinv, b2)


def kernel(x, edge_index, W1, b1, W2, b2):
    ei = edge_index.astype(jnp.int32)
    pad = E_PAD - E
    fill = jnp.arange(pad, dtype=jnp.int32)
    src = jnp.concatenate([ei[0], fill % N])
    dst = jnp.concatenate([ei[1], N + (fill % (NACC - N))])
    src3 = src.reshape(NW, NB_AGG, K)
    dst3 = dst.reshape(NW, NB_AGG, K)
    dst3_deg = dst.reshape(NS, NB_DEG, K)
    zeros = jnp.zeros((NACC, D), jnp.float32)

    deg = _deg_kernel()(dst3_deg)
    deg10k = lax.slice(deg, (0, 0), (N, D))

    y1 = _mm_scale(x, W1, deg10k)
    p1 = _agg_kernel()(y1, src3, dst3, zeros)
    y2 = _mid(p1, y1, deg10k, b1.reshape(1, D), W2)
    p2 = _agg_kernel()(y2, src3, dst3, zeros)
    return _final(p2, y2, deg10k, b2.reshape(1, D))

# --- scband reference (transcript-rebuilt; emitter-appended) ---
"""Pipeline reference for scband-gcn-17343077941655 (READ-ONLY COPY).

The authoritative reference and input builder live on the scoring server;
editing this copy changes nothing except your own understanding.
"""

import jax, jax.numpy as jnp
import numpy as np

N_NODES = 10000
N_EDGES = 320000
D_IN = 128
D_HID = 128
D_OUT = 128


def _gcn_conv(x, edge_index, W, b, num_nodes):
    # PyG GCNConv: add self-loops, symmetric normalization, linear transform, scatter-add aggregate
    src = edge_index[0]
    dst = edge_index[1]
    loop = jnp.arange(num_nodes, dtype=edge_index.dtype)
    src = jnp.concatenate([src, loop])
    dst = jnp.concatenate([dst, loop])
    deg = jnp.zeros((num_nodes,), dtype=x.dtype).at[dst].add(1.0)
    dinv = jnp.where(deg > 0, deg ** -0.5, 0.0)
    norm = dinv[src] * dinv[dst]
    xw = x @ W
    msg = xw[src] * norm[:, None]
    out = jnp.zeros((num_nodes, W.shape[1]), dtype=x.dtype).at[dst].add(msg)
    return out + b


def setup_inputs(seed: int = 0) -> dict:
    key = jax.random.key(seed)
    k1, k2, k3, k4, k5, k6 = jax.random.split(key, 6)
    x = jax.random.normal(k1, (N_NODES, D_IN), dtype=jnp.float32)
    edge_index = jax.random.randint(k2, (2, N_EDGES), 0, N_NODES, dtype=jnp.int64)
    s1 = (1.0 / D_IN) ** 0.5
    W1 = jax.random.uniform(k3, (D_IN, D_HID), minval=-s1, maxval=s1, dtype=jnp.float32)
    b1 = jnp.zeros((D_HID,), dtype=jnp.float32)
    s2 = (1.0 / D_HID) ** 0.5
    W2 = jax.random.uniform(k4, (D_HID, D_OUT), minval=-s2, maxval=s2, dtype=jnp.float32)
    b2 = jnp.zeros((D_OUT,), dtype=jnp.float32)
    return {"x": x, "edge_index": edge_index, "W1": W1, "b1": b1, "W2": W2, "b2": b2}


def reference(x, edge_index, W1, b1, W2, b2):
    h = _gcn_conv(x, edge_index, W1, b1, N_NODES)
    h = jax.nn.relu(h)
    # dropout is identity in eval mode (deterministic reference)
    out = _gcn_conv(h, edge_index, W2, b2, N_NODES)
    return out

if __name__ == "__main__":
    import jax
    _d = setup_inputs()
    print(jax.jit(kernel)(*tuple(_d.values())))

</pallas_src>

<mosaic_0001>
#map = affine_map<(d0, d1) -> (0, 0)>
#map1 = affine_map<(d0, d1) -> (0, 0, 0)>
module attributes {stable_mosaic.version = 14 : i64} {
  func.func @_agg_body(%arg0: i32, %arg1: i32, %arg2: memref<10000x128xf32, #tpu.memory_space<hbm>>, %arg3: memref<32x80x128xi32, #tpu.memory_space<hbm>>, %arg4: memref<32x80x128xi32, #tpu.memory_space<hbm>>, %arg5: memref<10112x128xf32, #tpu.memory_space<hbm>>, %arg6: memref<2x10112x128xf32, #tpu.memory_space<hbm>>, %arg7: memref<10112x128xf32, #tpu.memory_space<vmem_shared>>, %arg8: memref<40x128xi32, #tpu.memory_space<vmem>>, %arg9: memref<40x128xi32, #tpu.memory_space<vmem>>, %arg10: memref<128x128xf32, #tpu.memory_space<vmem>>, %arg11: memref<128x128xf32, #tpu.memory_space<vmem>>, %arg12: memref<!tpu.dma_semaphore, #tpu.memory_space<semaphore_mem>>, %arg13: memref<!tpu.dma_semaphore, #tpu.memory_space<semaphore_mem>>) attributes {dimension_semantics = [#tpu.dimension_semantics<core_parallel>, #tpu.dimension_semantics<subcore_parallel>], iteration_bounds = array<i64: 2, 16>, scalar_prefetch = 0 : i64, scratch_operands = 7 : i64, tpu.core_type = #tpu.core_type<sc_vector_subcore>, window_params = [{transform_indices = #map}, {transform_indices = #map1}, {transform_indices = #map1}, {transform_indices = #map}, {transform_indices = #map1}]} {
    %mul3A = arith.constant 16 : i32
    %mul3A_0 = arith.muli %arg0, %mul3A : i32
    %add3A = arith.addi %mul3A_0, %arg1 : i32
    %mul3A_1 = arith.constant 632 : i32
    %mul3A_2 = arith.muli %mul3A_1, %arg1 : i32
    %mul3A_3 = arith.constant 632 : i32
    %mul3A_4 = arith.muli %mul3A_3, %arg1 : i32
    "tpu.region"() ({
      %run_scoped3A = tpu.sem_alloc : memref<!tpu.dma_semaphore, #tpu.memory_space<semaphore_mem>>
      %dma_start3A_48 = arith.constant 0 : i32
      %dma_start3A_49 = tpu.memref_slice %arg7[%mul3A_4, %dma_start3A_48] : memref<10112x128xf32, #tpu.memory_space<vmem_shared>> -> memref<632x128xf32, #tpu.memory_space<vmem_shared>>
      %dma_start3A_50 = arith.constant 0 : i32
      %dma_start3A_51 = tpu.memref_slice %arg5[%mul3A_2, %dma_start3A_50] : memref<10112x128xf32, #tpu.memory_space<hbm>> -> memref<632x128xf32, #tpu.memory_space<hbm>>
      tpu.enqueue_dma source(%dma_start3A_51 : memref<632x128xf32, #tpu.memory_space<hbm>>) target(%dma_start3A_49 : memref<632x128xf32, #tpu.memory_space<vmem_shared>>) target_semaphore(%run_scoped3A : memref<!tpu.dma_semaphore, #tpu.memory_space<semaphore_mem>>)
      %dma_wait3A = arith.constant 0 : i32
      %dma_wait3A_52 = tpu.memref_slice %arg7[%mul3A_4, %dma_wait3A] : memref<10112x128xf32, #tpu.memory_space<vmem_shared>> -> memref<632x128xf32, #tpu.memory_space<vmem_shared>>
      %dma_wait3A_53 = arith.constant 0 : i32
      %dma_wait3A_54 = tpu.memref_slice %arg5[%mul3A_2, %dma_wait3A_53] : memref<10112x128xf32, #tpu.memory_space<hbm>> -> memref<632x128xf32, #tpu.memory_space<hbm>>
      tpu.wait_dma2 semaphore(%run_scoped3A : memref<!tpu.dma_semaphore, #tpu.memory_space<semaphore_mem>>) src(%dma_wait3A_54 : memref<632x128xf32, #tpu.memory_space<hbm>>) dst(%dma_wait3A_52 : memref<632x128xf32, #tpu.memory_space<vmem_shared>>)
      tpu.yield
    }) : () -> ()
    %barrier3A = arith.constant 0 : index
    tpu.barrier barrier_id(%barrier3A)
    "tpu.region"() ({
      %run_scoped3A = tpu.sem_alloc : memref<!tpu.dma_semaphore, #tpu.memory_space<semaphore_mem>>
      %dma_start3A_48 = arith.constant 0 : i32
      %dma_start3A_49 = arith.constant 0 : i32
      %dma_start3A_50 = tpu.memref_slice %arg3[%add3A, %dma_start3A_48, %dma_start3A_49] : memref<32x80x128xi32, #tpu.memory_space<hbm>> -> memref<1x40x128xi32, #tpu.memory_space<hbm>>
      %dma_start3A_51 = tpu.memref_squeeze %dma_start3A_50 : memref<1x40x128xi32, #tpu.memory_space<hbm>> -> memref<40x128xi32, #tpu.memory_space<hbm>>
      %dma_start3A_52 = arith.constant 0 : i32
      %dma_start3A_53 = arith.constant 0 : i32
      %dma_start3A_54 = tpu.memref_slice %arg3[%add3A, %dma_start3A_52, %dma_start3A_53] : memref<32x80x128xi32, #tpu.memory_space<hbm>> -> memref<1x40x128xi32, #tpu.memory_space<hbm>>
      %dma_start3A_55 = tpu.memref_squeeze %dma_start3A_54 : memref<1x40x128xi32, #tpu.memory_space<hbm>> -> memref<40x128xi32, #tpu.memory_space<hbm>>
      tpu.enqueue_dma source(%dma_start3A_55 : memref<40x128xi32, #tpu.memory_space<hbm>>) target(%arg8 : memref<40x128xi32, #tpu.memory_space<vmem>>) target_semaphore(%run_scoped3A : memref<!tpu.dma_semaphore, #tpu.memory_space<semaphore_mem>>)
      %dma_wait3A = arith.constant 0 : i32
      %dma_wait3A_56 = arith.constant 0 : i32
      %dma_wait3A_57 = tpu.memref_slice %arg3[%add3A, %dma_wait3A, %dma_wait3A_56] : memref<32x80x128xi32, #tpu.memory_space<hbm>> -> memref<1x40x128xi32, #tpu.memory_space<hbm>>
      %dma_wait3A_58 = tpu.memref_squeeze %dma_wait3A_57 : memref<1x40x128xi32, #tpu.memory_space<hbm>> -> memref<40x128xi32, #tpu.memory_space<hbm>>
      %dma_wait3A_59 = arith.constant 0 : i32
      %dma_wait3A_60 = arith.constant 0 : i32
      %dma_wait3A_61 = tpu.memref_slice %arg3[%add3A, %dma_wait3A_59, %dma_wait3A_60] : memref<32x80x128xi32, #tpu.memory_space<hbm>> -> memref<1x40x128xi32, #tpu.memory_space<hbm>>
      %dma_wait3A_62 = tpu.memref_squeeze %dma_wait3A_61 : memref<1x40x128xi32, #tpu.memory_space<hbm>> -> memref<40x128xi32, #tpu.memory_space<hbm>>
      tpu.wait_dma2 semaphore(%run_scoped3A : memref<!tpu.dma_semaphore, #tpu.memory_space<semaphore_mem>>) src(%dma_wait3A_62 : memref<40x128xi32, #tpu.memory_space<hbm>>) dst(%arg8 : memref<40x128xi32, #tpu.memory_space<vmem>>)
      tpu.yield
    }) : () -> ()
    "tpu.region"() ({
      %run_scoped3A = tpu.sem_alloc : memref<!tpu.dma_semaphore, #tpu.memory_space<semaphore_mem>>
      %dma_start3A_48 = arith.constant 0 : i32
      %dma_start3A_49 = arith.constant 0 : i32
      %dma_start3A_50 = tpu.memref_slice %arg4[%add3A, %dma_start3A_48, %dma_start3A_49] : memref<32x80x128xi32, #tpu.memory_space<hbm>> -> memref<1x40x128xi32, #tpu.memory_space<hbm>>
      %dma_start3A_51 = tpu.memref_squeeze %dma_start3A_50 : memref<1x40x128xi32, #tpu.memory_space<hbm>> -> memref<40x128xi32, #tpu.memory_space<hbm>>
      %dma_start3A_52 = arith.constant 0 : i32
      %dma_start3A_53 = arith.constant 0 : i32
      %dma_start3A_54 = tpu.memref_slice %arg4[%add3A, %dma_start3A_52, %dma_start3A_53] : memref<32x80x128xi32, #tpu.memory_space<hbm>> -> memref<1x40x128xi32, #tpu.memory_space<hbm>>
      %dma_start3A_55 = tpu.memref_squeeze %dma_start3A_54 : memref<1x40x128xi32, #tpu.memory_space<hbm>> -> memref<40x128xi32, #tpu.memory_space<hbm>>
      tpu.enqueue_dma source(%dma_start3A_55 : memref<40x128xi32, #tpu.memory_space<hbm>>) target(%arg9 : memref<40x128xi32, #tpu.memory_space<vmem>>) target_semaphore(%run_scoped3A : memref<!tpu.dma_semaphore, #tpu.memory_space<semaphore_mem>>)
      %dma_wait3A = arith.constant 0 : i32
      %dma_wait3A_56 = arith.constant 0 : i32
      %dma_wait3A_57 = tpu.memref_slice %arg4[%add3A, %dma_wait3A, %dma_wait3A_56] : memref<32x80x128xi32, #tpu.memory_space<hbm>> -> memref<1x40x128xi32, #tpu.memory_space<hbm>>
      %dma_wait3A_58 = tpu.memref_squeeze %dma_wait3A_57 : memref<1x40x128xi32, #tpu.memory_space<hbm>> -> memref<40x128xi32, #tpu.memory_space<hbm>>
      %dma_wait3A_59 = arith.constant 0 : i32
      %dma_wait3A_60 = arith.constant 0 : i32
      %dma_wait3A_61 = tpu.memref_slice %arg4[%add3A, %dma_wait3A_59, %dma_wait3A_60] : memref<32x80x128xi32, #tpu.memory_space<hbm>> -> memref<1x40x128xi32, #tpu.memory_space<hbm>>
      %dma_wait3A_62 = tpu.memref_squeeze %dma_wait3A_61 : memref<1x40x128xi32, #tpu.memory_space<hbm>> -> memref<40x128xi32, #tpu.memory_space<hbm>>
      tpu.wait_dma2 semaphore(%run_scoped3A : memref<!tpu.dma_semaphore, #tpu.memory_space<semaphore_mem>>) src(%dma_wait3A_62 : memref<40x128xi32, #tpu.memory_space<hbm>>) dst(%arg9 : memref<40x128xi32, #tpu.memory_space<vmem>>)
      tpu.yield
    }) : () -> ()
    %dma_start3A = arith.constant 0 : i32
    %dma_start3A_5 = arith.constant 0 : i32
    %dma_start3A_6 = tpu.memref_slice %arg8[%dma_start3A, %dma_start3A_5] : memref<40x128xi32, #tpu.memory_space<vmem>> -> memref<1x128xi32, #tpu.memory_space<vmem>>
    %dma_start3A_7 = tpu.memref_squeeze %dma_start3A_6 : memref<1x128xi32, #tpu.memory_space<vmem>> -> memref<128xi32, #tpu.memory_space<vmem>>
    %dma_start3A_8 = arith.constant 0 : i32
    %dma_start3A_9 = arith.constant 0 : i32
    %dma_start3A_10 = tpu.memref_slice %arg2[%dma_start3A_8, %dma_start3A_9] : memref<10000x128xf32, #tpu.memory_space<hbm>> -> memref<10000x128xf32, #tpu.memory_space<hbm>>
    tpu.enqueue_indirect_dma source(%dma_start3A_10 : memref<10000x128xf32, #tpu.memory_space<hbm>>) target(%arg10 : memref<128x128xf32, #tpu.memory_space<vmem>>) offsets(%dma_start3A_7 : memref<128xi32, #tpu.memory_space<vmem>>) semaphore(%arg12 : memref<!tpu.dma_semaphore, #tpu.memory_space<semaphore_mem>>)
    %dma_start3A_11 = arith.constant 1 : i32
    %dma_start3A_12 = arith.constant 0 : i32
    %dma_start3A_13 = tpu.memref_slice %arg8[%dma_start3A_11, %dma_start3A_12] : memref<40x128xi32, #tpu.memory_space<vmem>> -> memref<1x128xi32, #tpu.memory_space<vmem>>
    %dma_start3A_14 = tpu.memref_squeeze %dma_start3A_13 : memref<1x128xi32, #tpu.memory_space<vmem>> -> memref<128xi32, #tpu.memory_space<vmem>>
    %dma_start3A_15 = arith.constant 0 : i32
    %dma_start3A_16 = arith.constant 0 : i32
    %dma_start3A_17 = tpu.memref_slice %arg2[%dma_start3A_15, %dma_start3A_16] : memref<10000x128xf32, #tpu.memory_space<hbm>> -> memref<10000x128xf32, #tpu.memory_space<hbm>>
    tpu.enqueue_indirect_dma source(%dma_start3A_17 : memref<10000x128xf32, #tpu.memory_space<hbm>>) target(%arg11 : memref<128x128xf32, #tpu.memory_space<vmem>>) offsets(%dma_start3A_14 : memref<128xi32, #tpu.memory_space<vmem>>) semaphore(%arg13 : memref<!tpu.dma_semaphore, #tpu.memory_space<semaphore_mem>>)
    %scan3A = arith.constant 0 : i32
    %scan3A_18 = arith.constant 0 : i32
    %scan3A_19 = arith.constant 20 : i32
    %scan3A_20 = arith.addi %scan3A_18, %scan3A_19 : i32
    %scan3A_21 = arith.constant 1 : i32
    scf.for %scan3A_48 = %scan3A_18 to %scan3A_20 step %scan3A_21  : i32 {
      %mul3A_49 = arith.constant 2 : i32
      %mul3A_50 = arith.muli %scan3A_48, %mul3A_49 : i32
      %add3A_51 = arith.constant 0 : i32
      %add3A_52 = arith.addi %mul3A_50, %add3A_51 : i32
      %dma_wait3A = arith.constant 0 : i32
      %dma_wait3A_53 = tpu.memref_slice %arg8[%add3A_52, %dma_wait3A] : memref<40x128xi32, #tpu.memory_space<vmem>> -> memref<1x128xi32, #tpu.memory_space<vmem>>
      %dma_wait3A_54 = tpu.memref_squeeze %dma_wait3A_53 : memref<1x128xi32, #tpu.memory_space<vmem>> -> memref<128xi32, #tpu.memory_space<vmem>>
      %dma_wait3A_55 = arith.constant 0 : i32
      %dma_wait3A_56 = arith.constant 0 : i32
      %dma_wait3A_57 = tpu.memref_slice %arg2[%dma_wait3A_55, %dma_wait3A_56] : memref<10000x128xf32, #tpu.memory_space<hbm>> -> memref<10000x128xf32, #tpu.memory_space<hbm>>
      tpu.wait_indirect_dma semaphore(%arg12 : memref<!tpu.dma_semaphore, #tpu.memory_space<semaphore_mem>>) src(%dma_wait3A_57 : memref<10000x128xf32, #tpu.memory_space<hbm>>) dst(%arg10 : memref<128x128xf32, #tpu.memory_space<vmem>>)
      "tpu.region"() ({
        %run_scoped3A = tpu.sem_alloc : memref<!tpu.dma_semaphore, #tpu.memory_space<semaphore_mem>>
        %dma_start3A_79 = arith.constant 0 : i32
        %dma_start3A_80 = tpu.memref_slice %arg9[%add3A_52, %dma_start3A_79] : memref<40x128xi32, #tpu.memory_space<vmem>> -> memref<1x128xi32, #tpu.memory_space<vmem>>
        %dma_start3A_81 = tpu.memref_squeeze %dma_start3A_80 : memref<1x128xi32, #tpu.memory_space<vmem>> -> memref<128xi32, #tpu.memory_space<vmem>>
        %dma_start3A_82 = arith.constant 0 : i32
        %dma_start3A_83 = arith.constant 0 : i32
        %dma_start3A_84 = tpu.memref_slice %arg7[%dma_start3A_82, %dma_start3A_83] : memref<10112x128xf32, #tpu.memory_space<vmem_shared>> -> memref<10112x128xf32, #tpu.memory_space<vmem_shared>>
        tpu.enqueue_indirect_dma source(%arg10 : memref<128x128xf32, #tpu.memory_space<vmem>>) target(%dma_start3A_84 : memref<10112x128xf32, #tpu.memory_space<vmem_shared>>) offsets(%dma_start3A_81 : memref<128xi32, #tpu.memory_space<vmem>>) semaphore(%run_scoped3A : memref<!tpu.dma_semaphore, #tpu.memory_space<semaphore_mem>>) {add = true}
        %dma_wait3A_85 = arith.constant 0 : i32
        %dma_wait3A_86 = tpu.memref_slice %arg9[%add3A_52, %dma_wait3A_85] : memref<40x128xi32, #tpu.memory_space<vmem>> -> memref<1x128xi32, #tpu.memory_space<vmem>>
        %dma_wait3A_87 = tpu.memref_squeeze %dma_wait3A_86 : memref<1x128xi32, #tpu.memory_space<vmem>> -> memref<128xi32, #tpu.memory_space<vmem>>
        %dma_wait3A_88 = arith.constant 0 : i32
        %dma_wait3A_89 = arith.constant 0 : i32
        %dma_wait3A_90 = tpu.memref_slice %arg7[%dma_wait3A_88, %dma_wait3A_89] : memref<10112x128xf32, #tpu.memory_space<vmem_shared>> -> memref<10112x128xf32, #tpu.memory_space<vmem_shared>>
        tpu.wait_indirect_dma semaphore(%run_scoped3A : memref<!tpu.dma_semaphore, #tpu.memory_space<semaphore_mem>>) src(%arg10 : memref<128x128xf32, #tpu.memory_space<vmem>>) dst(%dma_wait3A_90 : memref<10112x128xf32, #tpu.memory_space<vmem_shared>>)
        tpu.yield
      }) : () -> ()
      %add3A_58 = arith.constant 2 : i32
      %add3A_59 = arith.addi %add3A_52, %add3A_58 : i32
      %lt3A = arith.constant 40 : i32
      %lt3A_60 = arith.cmpi slt, %add3A_59, %lt3A : i32
      %convert_element_type3A = arith.extui %lt3A_60 : i1 to i32
      %cond3A = arith.constant 0 : i32
      %cond3A_61 = arith.cmpi ne, %convert_element_type3A, %cond3A : i32
      scf.if %cond3A_61 {
        %add3A_79 = arith.constant 2 : i32
        %add3A_80 = arith.addi %add3A_52, %add3A_79 : i32
        %dma_start3A_81 = arith.constant 0 : i32
        %dma_start3A_82 = tpu.memref_slice %arg8[%add3A_80, %dma_start3A_81] : memref<40x128xi32, #tpu.memory_space<vmem>> -> memref<1x128xi32, #tpu.memory_space<vmem>>
        %dma_start3A_83 = tpu.memref_squeeze %dma_start3A_82 : memref<1x128xi32, #tpu.memory_space<vmem>> -> memref<128xi32, #tpu.memory_space<vmem>>
        %dma_start3A_84 = arith.constant 0 : i32
        %dma_start3A_85 = arith.constant 0 : i32
        %dma_start3A_86 = tpu.memref_slice %arg2[%dma_start3A_84, %dma_start3A_85] : memref<10000x128xf32, #tpu.memory_space<hbm>> -> memref<10000x128xf32, #tpu.memory_space<hbm>>
        tpu.enqueue_indirect_dma source(%dma_start3A_86 : memref<10000x128xf32, #tpu.memory_space<hbm>>) target(%arg10 : memref<128x128xf32, #tpu.memory_space<vmem>>) offsets(%dma_start3A_83 : memref<128xi32, #tpu.memory_space<vmem>>) semaphore(%arg12 : memref<!tpu.dma_semaphore, #tpu.memory_space<semaphore_mem>>)
      } else {
      }
      %mul3A_62 = arith.constant 2 : i32
      %mul3A_63 = arith.muli %scan3A_48, %mul3A_62 : i32
      %add3A_64 = arith.constant 1 : i32
      %add3A_65 = arith.addi %mul3A_63, %add3A_64 : i32
      %dma_wait3A_66 = arith.constant 0 : i32
      %dma_wait3A_67 = tpu.memref_slice %arg8[%add3A_65, %dma_wait3A_66] : memref<40x128xi32, #tpu.memory_space<vmem>> -> memref<1x128xi32, #tpu.memory_space<vmem>>
      %dma_wait3A_68 = tpu.memref_squeeze %dma_wait3A_67 : memref<1x128xi32, #tpu.memory_space<vmem>> -> memref<128xi32, #tpu.memory_space<vmem>>
      %dma_wait3A_69 = arith.constant 0 : i32
      %dma_wait3A_70 = arith.constant 0 : i32
      %dma_wait3A_71 = tpu.memref_slice %arg2[%dma_wait3A_69, %dma_wait3A_70] : memref<10000x128xf32, #tpu.memory_space<hbm>> -> memref<10000x128xf32, #tpu.memory_space<hbm>>
      tpu.wait_indirect_dma semaphore(%arg13 : memref<!tpu.dma_semaphore, #tpu.memory_space<semaphore_mem>>) src(%dma_wait3A_71 : memref<10000x128xf32, #tpu.memory_space<hbm>>) dst(%arg11 : memref<128x128xf32, #tpu.memory_space<vmem>>)
      "tpu.region"() ({
        %run_scoped3A = tpu.sem_alloc : memref<!tpu.dma_semaphore, #tpu.memory_space<semaphore_mem>>
        %dma_start3A_79 = arith.constant 0 : i32
        %dma_start3A_80 = tpu.memref_slice %arg9[%add3A_65, %dma_start3A_79] : memref<40x128xi32, #tpu.memory_space<vmem>> -> memref<1x128xi32, #tpu.memory_space<vmem>>
        %dma_start3A_81 = tpu.memref_squeeze %dma_start3A_80 : memref<1x128xi32, #tpu.memory_space<vmem>> -> memref<128xi32, #tpu.memory_space<vmem>>
        %dma_start3A_82 = arith.constant 0 : i32
        %dma_start3A_83 = arith.constant 0 : i32
        %dma_start3A_84 = tpu.memref_slice %arg7[%dma_start3A_82, %dma_start3A_83] : memref<10112x128xf32, #tpu.memory_space<vmem_shared>> -> memref<10112x128xf32, #tpu.memory_space<vmem_shared>>
        tpu.enqueue_indirect_dma source(%arg11 : memref<128x128xf32, #tpu.memory_space<vmem>>) target(%dma_start3A_84 : memref<10112x128xf32, #tpu.memory_space<vmem_shared>>) offsets(%dma_start3A_81 : memref<128xi32, #tpu.memory_space<vmem>>) semaphore(%run_scoped3A : memref<!tpu.dma_semaphore, #tpu.memory_space<semaphore_mem>>) {add = true}
        %dma_wait3A_85 = arith.constant 0 : i32
        %dma_wait3A_86 = tpu.memref_slice %arg9[%add3A_65, %dma_wait3A_85] : memref<40x128xi32, #tpu.memory_space<vmem>> -> memref<1x128xi32, #tpu.memory_space<vmem>>
        %dma_wait3A_87 = tpu.memref_squeeze %dma_wait3A_86 : memref<1x128xi32, #tpu.memory_space<vmem>> -> memref<128xi32, #tpu.memory_space<vmem>>
        %dma_wait3A_88 = arith.constant 0 : i32
        %dma_wait3A_89 = arith.constant 0 : i32
        %dma_wait3A_90 = tpu.memref_slice %arg7[%dma_wait3A_88, %dma_wait3A_89] : memref<10112x128xf32, #tpu.memory_space<vmem_shared>> -> memref<10112x128xf32, #tpu.memory_space<vmem_shared>>
        tpu.wait_indirect_dma semaphore(%run_scoped3A : memref<!tpu.dma_semaphore, #tpu.memory_space<semaphore_mem>>) src(%arg11 : memref<128x128xf32, #tpu.memory_space<vmem>>) dst(%dma_wait3A_90 : memref<10112x128xf32, #tpu.memory_space<vmem_shared>>)
        tpu.yield
      }) : () -> ()
      %add3A_72 = arith.constant 2 : i32
      %add3A_73 = arith.addi %add3A_65, %add3A_72 : i32
      %lt3A_74 = arith.constant 40 : i32
      %lt3A_75 = arith.cmpi slt, %add3A_73, %lt3A_74 : i32
      %convert_element_type3A_76 = arith.extui %lt3A_75 : i1 to i32
      %cond3A_77 = arith.constant 0 : i32
      %cond3A_78 = arith.cmpi ne, %convert_element_type3A_76, %cond3A_77 : i32
      scf.if %cond3A_78 {
        %add3A_79 = arith.constant 2 : i32
        %add3A_80 = arith.addi %add3A_65, %add3A_79 : i32
        %dma_start3A_81 = arith.constant 0 : i32
        %dma_start3A_82 = tpu.memref_slice %arg8[%add3A_80, %dma_start3A_81] : memref<40x128xi32, #tpu.memory_space<vmem>> -> memref<1x128xi32, #tpu.memory_space<vmem>>
        %dma_start3A_83 = tpu.memref_squeeze %dma_start3A_82 : memref<1x128xi32, #tpu.memory_space<vmem>> -> memref<128xi32, #tpu.memory_space<vmem>>
        %dma_start3A_84 = arith.constant 0 : i32
        %dma_start3A_85 = arith.constant 0 : i32
        %dma_start3A_86 = tpu.memref_slice %arg2[%dma_start3A_84, %dma_start3A_85] : memref<10000x128xf32, #tpu.memory_space<hbm>> -> memref<10000x128xf32, #tpu.memory_space<hbm>>
        tpu.enqueue_indirect_dma source(%dma_start3A_86 : memref<10000x128xf32, #tpu.memory_space<hbm>>) target(%arg11 : memref<128x128xf32, #tpu.memory_space<vmem>>) offsets(%dma_start3A_83 : memref<128xi32, #tpu.memory_space<vmem>>) semaphore(%arg13 : memref<!tpu.dma_semaphore, #tpu.memory_space<semaphore_mem>>)
      } else {
      }
    }
    %scan3A_22 = arith.constant 20 : i32
    "tpu.region"() ({
      %run_scoped3A = tpu.sem_alloc : memref<!tpu.dma_semaphore, #tpu.memory_space<semaphore_mem>>
      %dma_start3A_48 = arith.constant 40 : i32
      %dma_start3A_49 = arith.constant 0 : i32
      %dma_start3A_50 = tpu.memref_slice %arg3[%add3A, %dma_start3A_48, %dma_start3A_49] : memref<32x80x128xi32, #tpu.memory_space<hbm>> -> memref<1x40x128xi32, #tpu.memory_space<hbm>>
      %dma_start3A_51 = tpu.memref_squeeze %dma_start3A_50 : memref<1x40x128xi32, #tpu.memory_space<hbm>> -> memref<40x128xi32, #tpu.memory_space<hbm>>
      %dma_start3A_52 = arith.constant 40 : i32
      %dma_start3A_53 = arith.constant 0 : i32
      %dma_start3A_54 = tpu.memref_slice %arg3[%add3A, %dma_start3A_52, %dma_start3A_53] : memref<32x80x128xi32, #tpu.memory_space<hbm>> -> memref<1x40x128xi32, #tpu.memory_space<hbm>>
      %dma_start3A_55 = tpu.memref_squeeze %dma_start3A_54 : memref<1x40x128xi32, #tpu.memory_space<hbm>> -> memref<40x128xi32, #tpu.memory_space<hbm>>
      tpu.enqueue_dma source(%dma_start3A_55 : memref<40x128xi32, #tpu.memory_space<hbm>>) target(%arg8 : memref<40x128xi32, #tpu.memory_space<vmem>>) target_semaphore(%run_scoped3A : memref<!tpu.dma_semaphore, #tpu.memory_space<semaphore_mem>>)
      %dma_wait3A = arith.constant 40 : i32
      %dma_wait3A_56 = arith.constant 0 : i32
      %dma_wait3A_57 = tpu.memref_slice %arg3[%add3A, %dma_wait3A, %dma_wait3A_56] : memref<32x80x128xi32, #tpu.memory_space<hbm>> -> memref<1x40x128xi32, #tpu.memory_space<hbm>>
      %dma_wait3A_58 = tpu.memref_squeeze %dma_wait3A_57 : memref<1x40x128xi32, #tpu.memory_space<hbm>> -> memref<40x128xi32, #tpu.memory_space<hbm>>
      %dma_wait3A_59 = arith.constant 40 : i32
      %dma_wait3A_60 = arith.constant 0 : i32
      %dma_wait3A_61 = tpu.memref_slice %arg3[%add3A, %dma_wait3A_59, %dma_wait3A_60] : memref<32x80x128xi32, #tpu.memory_space<hbm>> -> memref<1x40x128xi32, #tpu.memory_space<hbm>>
      %dma_wait3A_62 = tpu.memref_squeeze %dma_wait3A_61 : memref<1x40x128xi32, #tpu.memory_space<hbm>> -> memref<40x128xi32, #tpu.memory_space<hbm>>
      tpu.wait_dma2 semaphore(%run_scoped3A : memref<!tpu.dma_semaphore, #tpu.memory_space<semaphore_mem>>) src(%dma_wait3A_62 : memref<40x128xi32, #tpu.memory_space<hbm>>) dst(%arg8 : memref<40x128xi32, #tpu.memory_space<vmem>>)
      tpu.yield
    }) : () -> ()
    "tpu.region"() ({
      %run_scoped3A = tpu.sem_alloc : memref<!tpu.dma_semaphore, #tpu.memory_space<semaphore_mem>>
      %dma_start3A_48 = arith.constant 40 : i32
      %dma_start3A_49 = arith.constant 0 : i32
      %dma_start3A_50 = tpu.memref_slice %arg4[%add3A, %dma_start3A_48, %dma_start3A_49] : memref<32x80x128xi32, #tpu.memory_space<hbm>> -> memref<1x40x128xi32, #tpu.memory_space<hbm>>
      %dma_start3A_51 = tpu.memref_squeeze %dma_start3A_50 : memref<1x40x128xi32, #tpu.memory_space<hbm>> -> memref<40x128xi32, #tpu.memory_space<hbm>>
      %dma_start3A_52 = arith.constant 40 : i32
      %dma_start3A_53 = arith.constant 0 : i32
      %dma_start3A_54 = tpu.memref_slice %arg4[%add3A, %dma_start3A_52, %dma_start3A_53] : memref<32x80x128xi32, #tpu.memory_space<hbm>> -> memref<1x40x128xi32, #tpu.memory_space<hbm>>
      %dma_start3A_55 = tpu.memref_squeeze %dma_start3A_54 : memref<1x40x128xi32, #tpu.memory_space<hbm>> -> memref<40x128xi32, #tpu.memory_space<hbm>>
      tpu.enqueue_dma source(%dma_start3A_55 : memref<40x128xi32, #tpu.memory_space<hbm>>) target(%arg9 : memref<40x128xi32, #tpu.memory_space<vmem>>) target_semaphore(%run_scoped3A : memref<!tpu.dma_semaphore, #tpu.memory_space<semaphore_mem>>)
      %dma_wait3A = arith.constant 40 : i32
      %dma_wait3A_56 = arith.constant 0 : i32
      %dma_wait3A_57 = tpu.memref_slice %arg4[%add3A, %dma_wait3A, %dma_wait3A_56] : memref<32x80x128xi32, #tpu.memory_space<hbm>> -> memref<1x40x128xi32, #tpu.memory_space<hbm>>
      %dma_wait3A_58 = tpu.memref_squeeze %dma_wait3A_57 : memref<1x40x128xi32, #tpu.memory_space<hbm>> -> memref<40x128xi32, #tpu.memory_space<hbm>>
      %dma_wait3A_59 = arith.constant 40 : i32
      %dma_wait3A_60 = arith.constant 0 : i32
      %dma_wait3A_61 = tpu.memref_slice %arg4[%add3A, %dma_wait3A_59, %dma_wait3A_60] : memref<32x80x128xi32, #tpu.memory_space<hbm>> -> memref<1x40x128xi32, #tpu.memory_space<hbm>>
      %dma_wait3A_62 = tpu.memref_squeeze %dma_wait3A_61 : memref<1x40x128xi32, #tpu.memory_space<hbm>> -> memref<40x128xi32, #tpu.memory_space<hbm>>
      tpu.wait_dma2 semaphore(%run_scoped3A : memref<!tpu.dma_semaphore, #tpu.memory_space<semaphore_mem>>) src(%dma_wait3A_62 : memref<40x128xi32, #tpu.memory_space<hbm>>) dst(%arg9 : memref<40x128xi32, #tpu.memory_space<vmem>>)
      tpu.yield
    }) : () -> ()
    %dma_start3A_23 = arith.constant 0 : i32
    %dma_start3A_24 = arith.constant 0 : i32
    %dma_start3A_25 = tpu.memref_slice %arg8[%dma_start3A_23, %dma_start3A_24] : memref<40x128xi32, #tpu.memory_space<vmem>> -> memref<1x128xi32, #tpu.memory_space<vmem>>
    %dma_start3A_26 = tpu.memref_squeeze %dma_start3A_25 : memref<1x128xi32, #tpu.memory_space<vmem>> -> memref<128xi32, #tpu.memory_space<vmem>>
    %dma_start3A_27 = arith.constant 0 : i32
    %dma_start3A_28 = arith.constant 0 : i32
    %dma_start3A_29 = tpu.memref_slice %arg2[%dma_start3A_27, %dma_start3A_28] : memref<10000x128xf32, #tpu.memory_space<hbm>> -> memref<10000x128xf32, #tpu.memory_space<hbm>>
    tpu.enqueue_indirect_dma source(%dma_start3A_29 : memref<10000x128xf32, #tpu.memory_space<hbm>>) target(%arg10 : memref<128x128xf32, #tpu.memory_space<vmem>>) offsets(%dma_start3A_26 : memref<128xi32, #tpu.memory_space<vmem>>) semaphore(%arg12 : memref<!tpu.dma_semaphore, #tpu.memory_space<semaphore_mem>>)
    %dma_start3A_30 = arith.constant 1 : i32
    %dma_start3A_31 = arith.constant 0 : i32
    %dma_start3A_32 = tpu.memref_slice %arg8[%dma_start3A_30, %dma_start3A_31] : memref<40x128xi32, #tpu.memory_space<vmem>> -> memref<1x128xi32, #tpu.memory_space<vmem>>
    %dma_start3A_33 = tpu.memref_squeeze %dma_start3A_32 : memref<1x128xi32, #tpu.memory_space<vmem>> -> memref<128xi32, #tpu.memory_space<vmem>>
    %dma_start3A_34 = arith.constant 0 : i32
    %dma_start3A_35 = arith.constant 0 : i32
    %dma_start3A_36 = tpu.memref_slice %arg2[%dma_start3A_34, %dma_start3A_35] : memref<10000x128xf32, #tpu.memory_space<hbm>> -> memref<10000x128xf32, #tpu.memory_space<hbm>>
    tpu.enqueue_indirect_dma source(%dma_start3A_36 : memref<10000x128xf32, #tpu.memory_space<hbm>>) target(%arg11 : memref<128x128xf32, #tpu.memory_space<vmem>>) offsets(%dma_start3A_33 : memref<128xi32, #tpu.memory_space<vmem>>) semaphore(%arg13 : memref<!tpu.dma_semaphore, #tpu.memory_space<semaphore_mem>>)
    %scan3A_37 = arith.constant 0 : i32
    %scan3A_38 = arith.constant 0 : i32
    %scan3A_39 = arith.constant 20 : i32
    %scan3A_40 = arith.addi %scan3A_38, %scan3A_39 : i32
    %scan3A_41 = arith.constant 1 : i32
    scf.for %scan3A_48 = %scan3A_38 to %scan3A_40 step %scan3A_41  : i32 {
      %mul3A_49 = arith.constant 2 : i32
      %mul3A_50 = arith.muli %scan3A_48, %mul3A_49 : i32
      %add3A_51 = arith.constant 0 : i32
      %add3A_52 = arith.addi %mul3A_50, %add3A_51 : i32
      %dma_wait3A = arith.constant 0 : i32
      %dma_wait3A_53 = tpu.memref_slice %arg8[%add3A_52, %dma_wait3A] : memref<40x128xi32, #tpu.memory_space<vmem>> -> memref<1x128xi32, #tpu.memory_space<vmem>>
      %dma_wait3A_54 = tpu.memref_squeeze %dma_wait3A_53 : memref<1x128xi32, #tpu.memory_space<vmem>> -> memref<128xi32, #tpu.memory_space<vmem>>
      %dma_wait3A_55 = arith.constant 0 : i32
      %dma_wait3A_56 = arith.constant 0 : i32
      %dma_wait3A_57 = tpu.memref_slice %arg2[%dma_wait3A_55, %dma_wait3A_56] : memref<10000x128xf32, #tpu.memory_space<hbm>> -> memref<10000x128xf32, #tpu.memory_space<hbm>>
      tpu.wait_indirect_dma semaphore(%arg12 : memref<!tpu.dma_semaphore, #tpu.memory_space<semaphore_mem>>) src(%dma_wait3A_57 : memref<10000x128xf32, #tpu.memory_space<hbm>>) dst(%arg10 : memref<128x128xf32, #tpu.memory_space<vmem>>)
      "tpu.region"() ({
        %run_scoped3A = tpu.sem_alloc : memref<!tpu.dma_semaphore, #tpu.memory_space<semaphore_mem>>
        %dma_start3A_79 = arith.constant 0 : i32
        %dma_start3A_80 = tpu.memref_slice %arg9[%add3A_52, %dma_start3A_79] : memref<40x128xi32, #tpu.memory_space<vmem>> -> memref<1x128xi32, #tpu.memory_space<vmem>>
        %dma_start3A_81 = tpu.memref_squeeze %dma_start3A_80 : memref<1x128xi32, #tpu.memory_space<vmem>> -> memref<128xi32, #tpu.memory_space<vmem>>
        %dma_start3A_82 = arith.constant 0 : i32
        %dma_start3A_83 = arith.constant 0 : i32
        %dma_start3A_84 = tpu.memref_slice %arg7[%dma_start3A_82, %dma_start3A_83] : memref<10112x128xf32, #tpu.memory_space<vmem_shared>> -> memref<10112x128xf32, #tpu.memory_space<vmem_shared>>
        tpu.enqueue_indirect_dma source(%arg10 : memref<128x128xf32, #tpu.memory_space<vmem>>) target(%dma_start3A_84 : memref<10112x128xf32, #tpu.memory_space<vmem_shared>>) offsets(%dma_start3A_81 : memref<128xi32, #tpu.memory_space<vmem>>) semaphore(%run_scoped3A : memref<!tpu.dma_semaphore, #tpu.memory_space<semaphore_mem>>) {add = true}
        %dma_wait3A_85 = arith.constant 0 : i32
        %dma_wait3A_86 = tpu.memref_slice %arg9[%add3A_52, %dma_wait3A_85] : memref<40x128xi32, #tpu.memory_space<vmem>> -> memref<1x128xi32, #tpu.memory_space<vmem>>
        %dma_wait3A_87 = tpu.memref_squeeze %dma_wait3A_86 : memref<1x128xi32, #tpu.memory_space<vmem>> -> memref<128xi32, #tpu.memory_space<vmem>>
        %dma_wait3A_88 = arith.constant 0 : i32
        %dma_wait3A_89 = arith.constant 0 : i32
        %dma_wait3A_90 = tpu.memref_slice %arg7[%dma_wait3A_88, %dma_wait3A_89] : memref<10112x128xf32, #tpu.memory_space<vmem_shared>> -> memref<10112x128xf32, #tpu.memory_space<vmem_shared>>
        tpu.wait_indirect_dma semaphore(%run_scoped3A : memref<!tpu.dma_semaphore, #tpu.memory_space<semaphore_mem>>) src(%arg10 : memref<128x128xf32, #tpu.memory_space<vmem>>) dst(%dma_wait3A_90 : memref<10112x128xf32, #tpu.memory_space<vmem_shared>>)
        tpu.yield
      }) : () -> ()
      %add3A_58 = arith.constant 2 : i32
      %add3A_59 = arith.addi %add3A_52, %add3A_58 : i32
      %lt3A = arith.constant 40 : i32
      %lt3A_60 = arith.cmpi slt, %add3A_59, %lt3A : i32
      %convert_element_type3A = arith.extui %lt3A_60 : i1 to i32
      %cond3A = arith.constant 0 : i32
      %cond3A_61 = arith.cmpi ne, %convert_element_type3A, %cond3A : i32
      scf.if %cond3A_61 {
        %add3A_79 = arith.constant 2 : i32
        %add3A_80 = arith.addi %add3A_52, %add3A_79 : i32
        %dma_start3A_81 = arith.constant 0 : i32
        %dma_start3A_82 = tpu.memref_slice %arg8[%add3A_80, %dma_start3A_81] : memref<40x128xi32, #tpu.memory_space<vmem>> -> memref<1x128xi32, #tpu.memory_space<vmem>>
        %dma_start3A_83 = tpu.memref_squeeze %dma_start3A_82 : memref<1x128xi32, #tpu.memory_space<vmem>> -> memref<128xi32, #tpu.memory_space<vmem>>
        %dma_start3A_84 = arith.constant 0 : i32
        %dma_start3A_85 = arith.constant 0 : i32
        %dma_start3A_86 = tpu.memref_slice %arg2[%dma_start3A_84, %dma_start3A_85] : memref<10000x128xf32, #tpu.memory_space<hbm>> -> memref<10000x128xf32, #tpu.memory_space<hbm>>
        tpu.enqueue_indirect_dma source(%dma_start3A_86 : memref<10000x128xf32, #tpu.memory_space<hbm>>) target(%arg10 : memref<128x128xf32, #tpu.memory_space<vmem>>) offsets(%dma_start3A_83 : memref<128xi32, #tpu.memory_space<vmem>>) semaphore(%arg12 : memref<!tpu.dma_semaphore, #tpu.memory_space<semaphore_mem>>)
      } else {
      }
      %mul3A_62 = arith.constant 2 : i32
      %mul3A_63 = arith.muli %scan3A_48, %mul3A_62 : i32
      %add3A_64 = arith.constant 1 : i32
      %add3A_65 = arith.addi %mul3A_63, %add3A_64 : i32
      %dma_wait3A_66 = arith.constant 0 : i32
      %dma_wait3A_67 = tpu.memref_slice %arg8[%add3A_65, %dma_wait3A_66] : memref<40x128xi32, #tpu.memory_space<vmem>> -> memref<1x128xi32, #tpu.memory_space<vmem>>
      %dma_wait3A_68 = tpu.memref_squeeze %dma_wait3A_67 : memref<1x128xi32, #tpu.memory_space<vmem>> -> memref<128xi32, #tpu.memory_space<vmem>>
      %dma_wait3A_69 = arith.constant 0 : i32
      %dma_wait3A_70 = arith.constant 0 : i32
      %dma_wait3A_71 = tpu.memref_slice %arg2[%dma_wait3A_69, %dma_wait3A_70] : memref<10000x128xf32, #tpu.memory_space<hbm>> -> memref<10000x128xf32, #tpu.memory_space<hbm>>
      tpu.wait_indirect_dma semaphore(%arg13 : memref<!tpu.dma_semaphore, #tpu.memory_space<semaphore_mem>>) src(%dma_wait3A_71 : memref<10000x128xf32, #tpu.memory_space<hbm>>) dst(%arg11 : memref<128x128xf32, #tpu.memory_space<vmem>>)
      "tpu.region"() ({
        %run_scoped3A = tpu.sem_alloc : memref<!tpu.dma_semaphore, #tpu.memory_space<semaphore_mem>>
        %dma_start3A_79 = arith.constant 0 : i32
        %dma_start3A_80 = tpu.memref_slice %arg9[%add3A_65, %dma_start3A_79] : memref<40x128xi32, #tpu.memory_space<vmem>> -> memref<1x128xi32, #tpu.memory_space<vmem>>
        %dma_start3A_81 = tpu.memref_squeeze %dma_start3A_80 : memref<1x128xi32, #tpu.memory_space<vmem>> -> memref<128xi32, #tpu.memory_space<vmem>>
        %dma_start3A_82 = arith.constant 0 : i32
        %dma_start3A_83 = arith.constant 0 : i32
        %dma_start3A_84 = tpu.memref_slice %arg7[%dma_start3A_82, %dma_start3A_83] : memref<10112x128xf32, #tpu.memory_space<vmem_shared>> -> memref<10112x128xf32, #tpu.memory_space<vmem_shared>>
        tpu.enqueue_indirect_dma source(%arg11 : memref<128x128xf32, #tpu.memory_space<vmem>>) target(%dma_start3A_84 : memref<10112x128xf32, #tpu.memory_space<vmem_shared>>) offsets(%dma_start3A_81 : memref<128xi32, #tpu.memory_space<vmem>>) semaphore(%run_scoped3A : memref<!tpu.dma_semaphore, #tpu.memory_space<semaphore_mem>>) {add = true}
        %dma_wait3A_85 = arith.constant 0 : i32
        %dma_wait3A_86 = tpu.memref_slice %arg9[%add3A_65, %dma_wait3A_85] : memref<40x128xi32, #tpu.memory_space<vmem>> -> memref<1x128xi32, #tpu.memory_space<vmem>>
        %dma_wait3A_87 = tpu.memref_squeeze %dma_wait3A_86 : memref<1x128xi32, #tpu.memory_space<vmem>> -> memref<128xi32, #tpu.memory_space<vmem>>
        %dma_wait3A_88 = arith.constant 0 : i32
        %dma_wait3A_89 = arith.constant 0 : i32
        %dma_wait3A_90 = tpu.memref_slice %arg7[%dma_wait3A_88, %dma_wait3A_89] : memref<10112x128xf32, #tpu.memory_space<vmem_shared>> -> memref<10112x128xf32, #tpu.memory_space<vmem_shared>>
        tpu.wait_indirect_dma semaphore(%run_scoped3A : memref<!tpu.dma_semaphore, #tpu.memory_space<semaphore_mem>>) src(%arg11 : memref<128x128xf32, #tpu.memory_space<vmem>>) dst(%dma_wait3A_90 : memref<10112x128xf32, #tpu.memory_space<vmem_shared>>)
        tpu.yield
      }) : () -> ()
      %add3A_72 = arith.constant 2 : i32
      %add3A_73 = arith.addi %add3A_65, %add3A_72 : i32
      %lt3A_74 = arith.constant 40 : i32
      %lt3A_75 = arith.cmpi slt, %add3A_73, %lt3A_74 : i32
      %convert_element_type3A_76 = arith.extui %lt3A_75 : i1 to i32
      %cond3A_77 = arith.constant 0 : i32
      %cond3A_78 = arith.cmpi ne, %convert_element_type3A_76, %cond3A_77 : i32
      scf.if %cond3A_78 {
        %add3A_79 = arith.constant 2 : i32
        %add3A_80 = arith.addi %add3A_65, %add3A_79 : i32
        %dma_start3A_81 = arith.constant 0 : i32
        %dma_start3A_82 = tpu.memref_slice %arg8[%add3A_80, %dma_start3A_81] : memref<40x128xi32, #tpu.memory_space<vmem>> -> memref<1x128xi32, #tpu.memory_space<vmem>>
        %dma_start3A_83 = tpu.memref_squeeze %dma_start3A_82 : memref<1x128xi32, #tpu.memory_space<vmem>> -> memref<128xi32, #tpu.memory_space<vmem>>
        %dma_start3A_84 = arith.constant 0 : i32
        %dma_start3A_85 = arith.constant 0 : i32
        %dma_start3A_86 = tpu.memref_slice %arg2[%dma_start3A_84, %dma_start3A_85] : memref<10000x128xf32, #tpu.memory_space<hbm>> -> memref<10000x128xf32, #tpu.memory_space<hbm>>
        tpu.enqueue_indirect_dma source(%dma_start3A_86 : memref<10000x128xf32, #tpu.memory_space<hbm>>) target(%arg11 : memref<128x128xf32, #tpu.memory_space<vmem>>) offsets(%dma_start3A_83 : memref<128xi32, #tpu.memory_space<vmem>>) semaphore(%arg13 : memref<!tpu.dma_semaphore, #tpu.memory_space<semaphore_mem>>)
      } else {
      }
    }
    %scan3A_42 = arith.constant 20 : i32
    %barrier3A_43 = arith.constant 0 : index
    tpu.barrier barrier_id(%barrier3A_43)
    %mul3A_44 = arith.constant 632 : i32
    %mul3A_45 = arith.muli %mul3A_44, %arg1 : i32
    %mul3A_46 = arith.constant 632 : i32
    %mul3A_47 = arith.muli %mul3A_46, %arg1 : i32
    "tpu.region"() ({
      %run_scoped3A = tpu.sem_alloc : memref<!tpu.dma_semaphore, #tpu.memory_space<semaphore_mem>>
      %dma_start3A_48 = arith.constant 0 : i32
      %dma_start3A_49 = tpu.memref_slice %arg6[%arg0, %mul3A_47, %dma_start3A_48] : memref<2x10112x128xf32, #tpu.memory_space<hbm>> -> memref<1x632x128xf32, #tpu.memory_space<hbm>>
      %dma_start3A_50 = tpu.memref_squeeze %dma_start3A_49 : memref<1x632x128xf32, #tpu.memory_space<hbm>> -> memref<632x128xf32, #tpu.memory_space<hbm>>
      %dma_start3A_51 = arith.constant 0 : i32
      %dma_start3A_52 = tpu.memref_slice %arg7[%mul3A_45, %dma_start3A_51] : memref<10112x128xf32, #tpu.memory_space<vmem_shared>> -> memref<632x128xf32, #tpu.memory_space<vmem_shared>>
      tpu.enqueue_dma source(%dma_start3A_52 : memref<632x128xf32, #tpu.memory_space<vmem_shared>>) target(%dma_start3A_50 : memref<632x128xf32, #tpu.memory_space<hbm>>) target_semaphore(%run_scoped3A : memref<!tpu.dma_semaphore, #tpu.memory_space<semaphore_mem>>)
      %dma_wait3A = arith.constant 0 : i32
      %dma_wait3A_53 = tpu.memref_slice %arg6[%arg0, %mul3A_47, %dma_wait3A] : memref<2x10112x128xf32, #tpu.memory_space<hbm>> -> memref<1x632x128xf32, #tpu.memory_space<hbm>>
      %dma_wait3A_54 = tpu.memref_squeeze %dma_wait3A_53 : memref<1x632x128xf32, #tpu.memory_space<hbm>> -> memref<632x128xf32, #tpu.memory_space<hbm>>
      %dma_wait3A_55 = arith.constant 0 : i32
      %dma_wait3A_56 = tpu.memref_slice %arg7[%mul3A_45, %dma_wait3A_55] : memref<10112x128xf32, #tpu.memory_space<vmem_shared>> -> memref<632x128xf32, #tpu.memory_space<vmem_shared>>
      tpu.wait_dma2 semaphore(%run_scoped3A : memref<!tpu.dma_semaphore, #tpu.memory_space<semaphore_mem>>) src(%dma_wait3A_56 : memref<632x128xf32, #tpu.memory_space<vmem_shared>>) dst(%dma_wait3A_54 : memref<632x128xf32, #tpu.memory_space<hbm>>)
      tpu.yield
    }) : () -> ()
    return
  }
}

#map = affine_map<(d0, d1) -> (0, 0, 0)>
#map1 = affine_map<(d0, d1) -> (0, 0)>
module attributes {stable_mosaic.version = 14 : i64} {
  func.func @_deg_body(%arg0: i32, %arg1: i32, %arg2: memref<16x160x128xi32, #tpu.memory_space<hbm>>, %arg3: memref<10112x128xf32, #tpu.memory_space<hbm>>, %arg4: memref<10112xf32, #tpu.memory_space<vmem_shared>>, %arg5: memref<160x128xi32, #tpu.memory_space<vmem>>, %arg6: memref<128xf32, #tpu.memory_space<vmem>>, %arg7: memref<632xf32, #tpu.memory_space<vmem>>, %arg8: memref<632xf32, #tpu.memory_space<vmem>>, %arg9: memref<632x128xf32, #tpu.memory_space<vmem>>) attributes {dimension_semantics = [#tpu.dimension_semantics<core_parallel>, #tpu.dimension_semantics<subcore_parallel>], iteration_bounds = array<i64: 2, 16>, scalar_prefetch = 0 : i64, scratch_operands = 6 : i64, tpu.core_type = #tpu.core_type<sc_vector_subcore>, window_params = [{transform_indices = #map}, {transform_indices = #map1}]} {
    %eq3A = arith.constant 0 : i32
    %eq3A_0 = arith.cmpi eq, %arg0, %eq3A : i32
    %convert_element_type3A = arith.extui %eq3A_0 : i1 to i32
    %cond3A = arith.constant 0 : i32
    %cond3A_1 = arith.cmpi ne, %convert_element_type3A, %cond3A : i32
    scf.if %cond3A_1 {
      %broadcast_in_dim3A = arith.constant 1.000000e+00 : f32
      %broadcast_in_dim3A_2 = vector.broadcast %broadcast_in_dim3A : f32 to vector<16xf32>
      %broadcast_in_dim3A_3 = arith.constant 0.000000e+00 : f32
      %broadcast_in_dim3A_4 = vector.broadcast %broadcast_in_dim3A_3 : f32 to vector<16xf32>
      %swap3A = arith.constant 0 : index
      %swap3A_5 = tpu.vector_load %arg6[%swap3A] {strides = array<i32>} : memref<128xf32, #tpu.memory_space<vmem>>, vector<16xf32>,
      tpu.vector_store %arg6[%swap3A], %broadcast_in_dim3A_2 {strides = array<i32>} : memref<128xf32, #tpu.memory_space<vmem>>, vector<16xf32>,
      %swap3A_6 = arith.constant 16 : index
      %swap3A_7 = tpu.vector_load %arg6[%swap3A_6] {strides = array<i32>} : memref<128xf32, #tpu.memory_space<vmem>>, vector<16xf32>,
      tpu.vector_store %arg6[%swap3A_6], %broadcast_in_dim3A_2 {strides = array<i32>} : memref<128xf32, #tpu.memory_space<vmem>>, vector<16xf32>,
      %swap3A_8 = arith.constant 32 : index
      %swap3A_9 = tpu.vector_load %arg6[%swap3A_8] {strides = array<i32>} : memref<128xf32, #tpu.memory_space<vmem>>, vector<16xf32>,
      tpu.vector_store %arg6[%swap3A_8], %broadcast_in_dim3A_2 {strides = array<i32>} : memref<128xf32, #tpu.memory_space<vmem>>, vector<16xf32>,
      %swap3A_10 = arith.constant 48 : index
      %swap3A_11 = tpu.vector_load %arg6[%swap3A_10] {strides = array<i32>} : memref<128xf32, #tpu.memory_space<vmem>>, vector<16xf32>,
      tpu.vector_store %arg6[%swap3A_10], %broadcast_in_dim3A_2 {strides = array<i32>} : memref<128xf32, #tpu.memory_space<vmem>>, vector<16xf32>,
      %swap3A_12 = arith.constant 64 : index
      %swap3A_13 = tpu.vector_load %arg6[%swap3A_12] {strides = array<i32>} : memref<128xf32, #tpu.memory_space<vmem>>, vector<16xf32>,
      tpu.vector_store %arg6[%swap3A_12], %broadcast_in_dim3A_2 {strides = array<i32>} : memref<128xf32, #tpu.memory_space<vmem>>, vector<16xf32>,
      %swap3A_14 = arith.constant 80 : index
      %swap3A_15 = tpu.vector_load %arg6[%swap3A_14] {strides = array<i32>} : memref<128xf32, #tpu.memory_space<vmem>>, vector<16xf32>,
      tpu.vector_store %arg6[%swap3A_14], %broadcast_in_dim3A_2 {strides = array<i32>} : memref<128xf32, #tpu.memory_space<vmem>>, vector<16xf32>,
      %swap3A_16 = arith.constant 96 : index
      %swap3A_17 = tpu.vector_load %arg6[%swap3A_16] {strides = array<i32>} : memref<128xf32, #tpu.memory_space<vmem>>, vector<16xf32>,
      tpu.vector_store %arg6[%swap3A_16], %broadcast_in_dim3A_2 {strides = array<i32>} : memref<128xf32, #tpu.memory_space<vmem>>, vector<16xf32>,
      %swap3A_18 = arith.constant 112 : index
      %swap3A_19 = tpu.vector_load %arg6[%swap3A_18] {strides = array<i32>} : memref<128xf32, #tpu.memory_space<vmem>>, vector<16xf32>,
      tpu.vector_store %arg6[%swap3A_18], %broadcast_in_dim3A_2 {strides = array<i32>} : memref<128xf32, #tpu.memory_space<vmem>>, vector<16xf32>,
      %swap3A_20 = arith.constant 0 : index
      %swap3A_21 = tpu.vector_load %arg7[%swap3A_20] {strides = array<i32>} : memref<632xf32, #tpu.memory_space<vmem>>, vector<16xf32>,
      tpu.vector_store %arg7[%swap3A_20], %broadcast_in_dim3A_4 {strides = array<i32>} : memref<632xf32, #tpu.memory_space<vmem>>, vector<16xf32>,
      %swap3A_22 = arith.constant 16 : index
      %swap3A_23 = tpu.vector_load %arg7[%swap3A_22] {strides = array<i32>} : memref<632xf32, #tpu.memory_space<vmem>>, vector<16xf32>,
      tpu.vector_store %arg7[%swap3A_22], %broadcast_in_dim3A_4 {strides = array<i32>} : memref<632xf32, #tpu.memory_space<vmem>>, vector<16xf32>,
      %swap3A_24 = arith.constant 32 : index
      %swap3A_25 = tpu.vector_load %arg7[%swap3A_24] {strides = array<i32>} : memref<632xf32, #tpu.memory_space<vmem>>, vector<16xf32>,
      tpu.vector_store %arg7[%swap3A_24], %broadcast_in_dim3A_4 {strides = array<i32>} : memref<632xf32, #tpu.memory_space<vmem>>, vector<16xf32>,
      %swap3A_26 = arith.constant 48 : index
      %swap3A_27 = tpu.vector_load %arg7[%swap3A_26] {strides = array<i32>} : memref<632xf32, #tpu.memory_space<vmem>>, vector<16xf32>,
      tpu.vector_store %arg7[%swap3A_26], %broadcast_in_dim3A_4 {strides = array<i32>} : memref<632xf32, #tpu.memory_space<vmem>>, vector<16xf32>,
      %swap3A_28 = arith.constant 64 : index
      %swap3A_29 = tpu.vector_load %arg7[%swap3A_28] {strides = array<i32>} : memref<632xf32, #tpu.memory_space<vmem>>, vector<16xf32>,
      tpu.vector_store %arg7[%swap3A_28], %broadcast_in_dim3A_4 {strides = array<i32>} : memref<632xf32, #tpu.memory_space<vmem>>, vector<16xf32>,
      %swap3A_30 = arith.constant 80 : index
      %swap3A_31 = tpu.vector_load %arg7[%swap3A_30] {strides = array<i32>} : memref<632xf32, #tpu.memory_space<vmem>>, vector<16xf32>,
      tpu.vector_store %arg7[%swap3A_30], %broadcast_in_dim3A_4 {strides = array<i32>} : memref<632xf32, #tpu.memory_space<vmem>>, vector<16xf32>,
      %swap3A_32 = arith.constant 96 : index
      %swap3A_33 = tpu.vector_load %arg7[%swap3A_32] {strides = array<i32>} : memref<632xf32, #tpu.memory_space<vmem>>, vector<16xf32>,
      tpu.vector_store %arg7[%swap3A_32], %broadcast_in_dim3A_4 {strides = array<i32>} : memref<632xf32, #tpu.memory_space<vmem>>, vector<16xf32>,
      %swap3A_34 = arith.constant 112 : index
      %swap3A_35 = tpu.vector_load %arg7[%swap3A_34] {strides = array<i32>} : memref<632xf32, #tpu.memory_space<vmem>>, vector<16xf32>,
      tpu.vector_store %arg7[%swap3A_34], %broadcast_in_dim3A_4 {strides = array<i32>} : memref<632xf32, #tpu.memory_space<vmem>>, vector<16xf32>,
      %swap3A_36 = arith.constant 128 : index
      %swap3A_37 = tpu.vector_load %arg7[%swap3A_36] {strides = array<i32>} : memref<632xf32, #tpu.memory_space<vmem>>, vector<16xf32>,
      tpu.vector_store %arg7[%swap3A_36], %broadcast_in_dim3A_4 {strides = array<i32>} : memref<632xf32, #tpu.memory_space<vmem>>, vector<16xf32>,
      %swap3A_38 = arith.constant 144 : index
      %swap3A_39 = tpu.vector_load %arg7[%swap3A_38] {strides = array<i32>} : memref<632xf32, #tpu.memory_space<vmem>>, vector<16xf32>,
      tpu.vector_store %arg7[%swap3A_38], %broadcast_in_dim3A_4 {strides = array<i32>} : memref<632xf32, #tpu.memory_space<vmem>>, vector<16xf32>,
      %swap3A_40 = arith.constant 160 : index
      %swap3A_41 = tpu.vector_load %arg7[%swap3A_40] {strides = array<i32>} : memref<632xf32, #tpu.memory_space<vmem>>, vector<16xf32>,
      tpu.vector_store %arg7[%swap3A_40], %broadcast_in_dim3A_4 {strides = array<i32>} : memref<632xf32, #tpu.memory_space<vmem>>, vector<16xf32>,
      %swap3A_42 = arith.constant 176 : index
      %swap3A_43 = tpu.vector_load %arg7[%swap3A_42] {strides = array<i32>} : memref<632xf32, #tpu.memory_space<vmem>>, vector<16xf32>,
      tpu.vector_store %arg7[%swap3A_42], %broadcast_in_dim3A_4 {strides = array<i32>} : memref<632xf32, #tpu.memory_space<vmem>>, vector<16xf32>,
      %swap3A_44 = arith.constant 192 : index
      %swap3A_45 = tpu.vector_load %arg7[%swap3A_44] {strides = array<i32>} : memref<632xf32, #tpu.memory_space<vmem>>, vector<16xf32>,
      tpu.vector_store %arg7[%swap3A_44], %broadcast_in_dim3A_4 {strides = array<i32>} : memref<632xf32, #tpu.memory_space<vmem>>, vector<16xf32>,
      %swap3A_46 = arith.constant 208 : index
      %swap3A_47 = tpu.vector_load %arg7[%swap3A_46] {strides = array<i32>} : memref<632xf32, #tpu.memory_space<vmem>>, vector<16xf32>,
      tpu.vector_store %arg7[%swap3A_46], %broadcast_in_dim3A_4 {strides = array<i32>} : memref<632xf32, #tpu.memory_space<vmem>>, vector<16xf32>,
      %swap3A_48 = arith.constant 224 : index
      %swap3A_49 = tpu.vector_load %arg7[%swap3A_48] {strides = array<i32>} : memref<632xf32, #tpu.memory_space<vmem>>, vector<16xf32>,
      tpu.vector_store %arg7[%swap3A_48], %broadcast_in_dim3A_4 {strides = array<i32>} : memref<632xf32, #tpu.memory_space<vmem>>, vector<16xf32>,
      %swap3A_50 = arith.constant 240 : index
      %swap3A_51 = tpu.vector_load %arg7[%swap3A_50] {strides = array<i32>} : memref<632xf32, #tpu.memory_space<vmem>>, vector<16xf32>,
      tpu.vector_store %arg7[%swap3A_50], %broadcast_in_dim3A_4 {strides = array<i32>} : memref<632xf32, #tpu.memory_space<vmem>>, vector<16xf32>,
      %swap3A_52 = arith.constant 256 : index
      %swap3A_53 = tpu.vector_load %arg7[%swap3A_52] {strides = array<i32>} : memref<632xf32, #tpu.memory_space<vmem>>, vector<16xf32>,
      tpu.vector_store %arg7[%swap3A_52], %broadcast_in_dim3A_4 {strides = array<i32>} : memref<632xf32, #tpu.memory_space<vmem>>, vector<16xf32>,
      %swap3A_54 = arith.constant 272 : index
      %swap3A_55 = tpu.vector_load %arg7[%swap3A_54] {strides = array<i32>} : memref<632xf32, #tpu.memory_space<vmem>>, vector<16xf32>,
      tpu.vector_store %arg7[%swap3A_54], %broadcast_in_dim3A_4 {strides = array<i32>} : memref<632xf32, #tpu.memory_space<vmem>>, vector<16xf32>,
      %swap3A_56 = arith.constant 288 : index
      %swap3A_57 = tpu.vector_load %arg7[%swap3A_56] {strides = array<i32>} : memref<632xf32, #tpu.memory_space<vmem>>, vector<16xf32>,
      tpu.vector_store %arg7[%swap3A_56], %broadcast_in_dim3A_4 {strides = array<i32>} : memref<632xf32, #tpu.memory_space<vmem>>, vector<16xf32>,
      %swap3A_58 = arith.constant 304 : index
      %swap3A_59 = tpu.vector_load %arg7[%swap3A_58] {strides = array<i32>} : memref<632xf32, #tpu.memory_space<vmem>>, vector<16xf32>,
      tpu.vector_store %arg7[%swap3A_58], %broadcast_in_dim3A_4 {strides = array<i32>} : memref<632xf32, #tpu.memory_space<vmem>>, vector<16xf32>,
      %swap3A_60 = arith.constant 320 : index
      %swap3A_61 = tpu.vector_load %arg7[%swap3A_60] {strides = array<i32>} : memref<632xf32, #tpu.memory_space<vmem>>, vector<16xf32>,
      tpu.vector_store %arg7[%swap3A_60], %broadcast_in_dim3A_4 {strides = array<i32>} : memref<632xf32, #tpu.memory_space<vmem>>, vector<16xf32>,
      %swap3A_62 = arith.constant 336 : index
      %swap3A_63 = tpu.vector_load %arg7[%swap3A_62] {strides = array<i32>} : memref<632xf32, #tpu.memory_space<vmem>>, vector<16xf32>,
      tpu.vector_store %arg7[%swap3A_62], %broadcast_in_dim3A_4 {strides = array<i32>} : memref<632xf32, #tpu.memory_space<vmem>>, vector<16xf32>,
      %swap3A_64 = arith.constant 352 : index
      %swap3A_65 = tpu.vector_load %arg7[%swap3A_64] {strides = array<i32>} : memref<632xf32, #tpu.memory_space<vmem>>, vector<16xf32>,
      tpu.vector_store %arg7[%swap3A_64], %broadcast_in_dim3A_4 {strides = array<i32>} : memref<632xf32, #tpu.memory_space<vmem>>, vector<16xf32>,
      %swap3A_66 = arith.constant 368 : index
      %swap3A_67 = tpu.vector_load %arg7[%swap3A_66] {strides = array<i32>} : memref<632xf32, #tpu.memory_space<vmem>>, vector<16xf32>,
      tpu.vector_store %arg7[%swap3A_66], %broadcast_in_dim3A_4 {strides = array<i32>} : memref<632xf32, #tpu.memory_space<vmem>>, vector<16xf32>,
      %swap3A_68 = arith.constant 384 : index
      %swap3A_69 = tpu.vector_load %arg7[%swap3A_68] {strides = array<i32>} : memref<632xf32, #tpu.memory_space<vmem>>, vector<16xf32>,
      tpu.vector_store %arg7[%swap3A_68], %broadcast_in_dim3A_4 {strides = array<i32>} : memref<632xf32, #tpu.memory_space<vmem>>, vector<16xf32>,
      %swap3A_70 = arith.constant 400 : index
      %swap3A_71 = tpu.vector_load %arg7[%swap3A_70] {strides = array<i32>} : memref<632xf32, #tpu.memory_space<vmem>>, vector<16xf32>,
      tpu.vector_store %arg7[%swap3A_70], %broadcast_in_dim3A_4 {strides = array<i32>} : memref<632xf32, #tpu.memory_space<vmem>>, vector<16xf32>,
      %swap3A_72 = arith.constant 416 : index
      %swap3A_73 = tpu.vector_load %arg7[%swap3A_72] {strides = array<i32>} : memref<632xf32, #tpu.memory_space<vmem>>, vector<16xf32>,
      tpu.vector_store %arg7[%swap3A_72], %broadcast_in_dim3A_4 {strides = array<i32>} : memref<632xf32, #tpu.memory_space<vmem>>, vector<16xf32>,
      %swap3A_74 = arith.constant 432 : index
      %swap3A_75 = tpu.vector_load %arg7[%swap3A_74] {strides = array<i32>} : memref<632xf32, #tpu.memory_space<vmem>>, vector<16xf32>,
      tpu.vector_store %arg7[%swap3A_74], %broadcast_in_dim3A_4 {strides = array<i32>} : memref<632xf32, #tpu.memory_space<vmem>>, vector<16xf32>,
      %swap3A_76 = arith.constant 448 : index
      %swap3A_77 = tpu.vector_load %arg7[%swap3A_76] {strides = array<i32>} : memref<632xf32, #tpu.memory_space<vmem>>, vector<16xf32>,
      tpu.vector_store %arg7[%swap3A_76], %broadcast_in_dim3A_4 {strides = array<i32>} : memref<632xf32, #tpu.memory_space<vmem>>, vector<16xf32>,
      %swap3A_78 = arith.constant 464 : index
      %swap3A_79 = tpu.vector_load %arg7[%swap3A_78] {strides = array<i32>} : memref<632xf32, #tpu.memory_space<vmem>>, vector<16xf32>,
      tpu.vector_store %arg7[%swap3A_78], %broadcast_in_dim3A_4 {strides = array<i32>} : memref<632xf32, #tpu.memory_space<vmem>>, vector<16xf32>,
      %swap3A_80 = arith.constant 480 : index
      %swap3A_81 = tpu.vector_load %arg7[%swap3A_80] {strides = array<i32>} : memref<632xf32, #tpu.memory_space<vmem>>, vector<16xf32>,
      tpu.vector_store %arg7[%swap3A_80], %broadcast_in_dim3A_4 {strides = array<i32>} : memref<632xf32, #tpu.memory_space<vmem>>, vector<16xf32>,
      %swap3A_82 = arith.constant 496 : index
      %swap3A_83 = tpu.vector_load %arg7[%swap3A_82] {strides = array<i32>} : memref<632xf32, #tpu.memory_space<vmem>>, vector<16xf32>,
      tpu.vector_store %arg7[%swap3A_82], %broadcast_in_dim3A_4 {strides = array<i32>} : memref<632xf32, #tpu.memory_space<vmem>>, vector<16xf32>,
      %swap3A_84 = arith.constant 512 : index
      %swap3A_85 = tpu.vector_load %arg7[%swap3A_84] {strides = array<i32>} : memref<632xf32, #tpu.memory_space<vmem>>, vector<16xf32>,
      tpu.vector_store %arg7[%swap3A_84], %broadcast_in_dim3A_4 {strides = array<i32>} : memref<632xf32, #tpu.memory_space<vmem>>, vector<16xf32>,
      %swap3A_86 = arith.constant 528 : index
      %swap3A_87 = tpu.vector_load %arg7[%swap3A_86] {strides = array<i32>} : memref<632xf32, #tpu.memory_space<vmem>>, vector<16xf32>,
      tpu.vector_store %arg7[%swap3A_86], %broadcast_in_dim3A_4 {strides = array<i32>} : memref<632xf32, #tpu.memory_space<vmem>>, vector<16xf32>,
      %swap3A_88 = arith.constant 544 : index
      %swap3A_89 = tpu.vector_load %arg7[%swap3A_88] {strides = array<i32>} : memref<632xf32, #tpu.memory_space<vmem>>, vector<16xf32>,
      tpu.vector_store %arg7[%swap3A_88], %broadcast_in_dim3A_4 {strides = array<i32>} : memref<632xf32, #tpu.memory_space<vmem>>, vector<16xf32>,
      %swap3A_90 = arith.constant 560 : index
      %swap3A_91 = tpu.vector_load %arg7[%swap3A_90] {strides = array<i32>} : memref<632xf32, #tpu.memory_space<vmem>>, vector<16xf32>,
      tpu.vector_store %arg7[%swap3A_90], %broadcast_in_dim3A_4 {strides = array<i32>} : memref<632xf32, #tpu.memory_space<vmem>>, vector<16xf32>,
      %swap3A_92 = arith.constant 576 : index
      %swap3A_93 = tpu.vector_load %arg7[%swap3A_92] {strides = array<i32>} : memref<632xf32, #tpu.memory_space<vmem>>, vector<16xf32>,
      tpu.vector_store %arg7[%swap3A_92], %broadcast_in_dim3A_4 {strides = array<i32>} : memref<632xf32, #tpu.memory_space<vmem>>, vector<16xf32>,
      %swap3A_94 = arith.constant 592 : index
      %swap3A_95 = tpu.vector_load %arg7[%swap3A_94] {strides = array<i32>} : memref<632xf32, #tpu.memory_space<vmem>>, vector<16xf32>,
      tpu.vector_store %arg7[%swap3A_94], %broadcast_in_dim3A_4 {strides = array<i32>} : memref<632xf32, #tpu.memory_space<vmem>>, vector<16xf32>,
      %swap3A_96 = arith.constant 608 : index
      %swap3A_97 = tpu.vector_load %arg7[%swap3A_96] {strides = array<i32>} : memref<632xf32, #tpu.memory_space<vmem>>, vector<16xf32>,
      tpu.vector_store %arg7[%swap3A_96], %broadcast_in_dim3A_4 {strides = array<i32>} : memref<632xf32, #tpu.memory_space<vmem>>, vector<16xf32>,
      %swap3A_98 = arith.constant 616 : index
      %swap3A_99 = tpu.vector_load %arg7[%swap3A_98] {strides = array<i32>} : memref<632xf32, #tpu.memory_space<vmem>>, vector<16xf32>,
      tpu.vector_store %arg7[%swap3A_98], %broadcast_in_dim3A_4 {strides = array<i32>} : memref<632xf32, #tpu.memory_space<vmem>>, vector<16xf32>,
      %mul3A = arith.constant 632 : i32
      %mul3A_100 = arith.muli %mul3A, %arg1 : i32
      "tpu.region"() ({
        %run_scoped3A = tpu.sem_alloc : memref<!tpu.dma_semaphore, #tpu.memory_space<semaphore_mem>>
        %dma_start3A = tpu.memref_slice %arg4[%mul3A_100] : memref<10112xf32, #tpu.memory_space<vmem_shared>> -> memref<632xf32, #tpu.memory_space<vmem_shared>>
        %dma_start3A_117 = tpu.memref_slice %arg4[%mul3A_100] : memref<10112xf32, #tpu.memory_space<vmem_shared>> -> memref<632xf32, #tpu.memory_space<vmem_shared>>
        tpu.enqueue_dma source(%arg7 : memref<632xf32, #tpu.memory_space<vmem>>) target(%dma_start3A_117 : memref<632xf32, #tpu.memory_space<vmem_shared>>) target_semaphore(%run_scoped3A : memref<!tpu.dma_semaphore, #tpu.memory_space<semaphore_mem>>)
        %dma_wait3A = tpu.memref_slice %arg4[%mul3A_100] : memref<10112xf32, #tpu.memory_space<vmem_shared>> -> memref<632xf32, #tpu.memory_space<vmem_shared>>
        %dma_wait3A_118 = tpu.memref_slice %arg4[%mul3A_100] : memref<10112xf32, #tpu.memory_space<vmem_shared>> -> memref<632xf32, #tpu.memory_space<vmem_shared>>
        tpu.wait_dma2 semaphore(%run_scoped3A : memref<!tpu.dma_semaphore, #tpu.memory_space<semaphore_mem>>) src(%arg7 : memref<632xf32, #tpu.memory_space<vmem>>) dst(%dma_wait3A_118 : memref<632xf32, #tpu.memory_space<vmem_shared>>)
        tpu.yield
      }) : () -> ()
      "tpu.region"() ({
        %run_scoped3A = tpu.sem_alloc : memref<!tpu.dma_semaphore, #tpu.memory_space<semaphore_mem>>
        %dma_start3A = arith.constant 0 : i32
        %dma_start3A_117 = arith.constant 0 : i32
        %dma_start3A_118 = tpu.memref_slice %arg2[%arg1, %dma_start3A, %dma_start3A_117] : memref<16x160x128xi32, #tpu.memory_space<hbm>> -> memref<1x160x128xi32, #tpu.memory_space<hbm>>
        %dma_start3A_119 = tpu.memref_squeeze %dma_start3A_118 : memref<1x160x128xi32, #tpu.memory_space<hbm>> -> memref<160x128xi32, #tpu.memory_space<hbm>>
        %dma_start3A_120 = arith.constant 0 : i32
        %dma_start3A_121 = arith.constant 0 : i32
        %dma_start3A_122 = tpu.memref_slice %arg2[%arg1, %dma_start3A_120, %dma_start3A_121] : memref<16x160x128xi32, #tpu.memory_space<hbm>> -> memref<1x160x128xi32, #tpu.memory_space<hbm>>
        %dma_start3A_123 = tpu.memref_squeeze %dma_start3A_122 : memref<1x160x128xi32, #tpu.memory_space<hbm>> -> memref<160x128xi32, #tpu.memory_space<hbm>>
        tpu.enqueue_dma source(%dma_start3A_123 : memref<160x128xi32, #tpu.memory_space<hbm>>) target(%arg5 : memref<160x128xi32, #tpu.memory_space<vmem>>) target_semaphore(%run_scoped3A : memref<!tpu.dma_semaphore, #tpu.memory_space<semaphore_mem>>)
        %dma_wait3A = arith.constant 0 : i32
        %dma_wait3A_124 = arith.constant 0 : i32
        %dma_wait3A_125 = tpu.memref_slice %arg2[%arg1, %dma_wait3A, %dma_wait3A_124] : memref<16x160x128xi32, #tpu.memory_space<hbm>> -> memref<1x160x128xi32, #tpu.memory_space<hbm>>
        %dma_wait3A_126 = tpu.memref_squeeze %dma_wait3A_125 : memref<1x160x128xi32, #tpu.memory_space<hbm>> -> memref<160x128xi32, #tpu.memory_space<hbm>>
        %dma_wait3A_127 = arith.constant 0 : i32
        %dma_wait3A_128 = arith.constant 0 : i32
        %dma_wait3A_129 = tpu.memref_slice %arg2[%arg1, %dma_wait3A_127, %dma_wait3A_128] : memref<16x160x128xi32, #tpu.memory_space<hbm>> -> memref<1x160x128xi32, #tpu.memory_space<hbm>>
        %dma_wait3A_130 = tpu.memref_squeeze %dma_wait3A_129 : memref<1x160x128xi32, #tpu.memory_space<hbm>> -> memref<160x128xi32, #tpu.memory_space<hbm>>
        tpu.wait_dma2 semaphore(%run_scoped3A : memref<!tpu.dma_semaphore, #tpu.memory_space<semaphore_mem>>) src(%dma_wait3A_130 : memref<160x128xi32, #tpu.memory_space<hbm>>) dst(%arg5 : memref<160x128xi32, #tpu.memory_space<vmem>>)
        tpu.yield
      }) : () -> ()
      %barrier3A = arith.constant 0 : index
      tpu.barrier barrier_id(%barrier3A)
      %scan3A = arith.constant 0 : i32
      %scan3A_101 = arith.constant 0 : i32
      %scan3A_102 = arith.constant 160 : i32
      %scan3A_103 = arith.addi %scan3A_101, %scan3A_102 : i32
      %scan3A_104 = arith.constant 1 : i32
      scf.for %scan3A_117 = %scan3A_101 to %scan3A_103 step %scan3A_104  : i32 {
        "tpu.region"() ({
          %run_scoped3A = tpu.sem_alloc : memref<!tpu.dma_semaphore, #tpu.memory_space<semaphore_mem>>
          %dma_start3A = arith.constant 0 : i32
          %dma_start3A_118 = tpu.memref_slice %arg5[%scan3A_117, %dma_start3A] : memref<160x128xi32, #tpu.memory_space<vmem>> -> memref<1x128xi32, #tpu.memory_space<vmem>>
          %dma_start3A_119 = tpu.memref_squeeze %dma_start3A_118 : memref<1x128xi32, #tpu.memory_space<vmem>> -> memref<128xi32, #tpu.memory_space<vmem>>
          %dma_start3A_120 = arith.constant 0 : i32
          %dma_start3A_121 = tpu.memref_slice %arg4[%dma_start3A_120] : memref<10112xf32, #tpu.memory_space<vmem_shared>> -> memref<10112xf32, #tpu.memory_space<vmem_shared>>
          tpu.enqueue_indirect_dma source(%arg6 : memref<128xf32, #tpu.memory_space<vmem>>) target(%dma_start3A_121 : memref<10112xf32, #tpu.memory_space<vmem_shared>>) offsets(%dma_start3A_119 : memref<128xi32, #tpu.memory_space<vmem>>) semaphore(%run_scoped3A : memref<!tpu.dma_semaphore, #tpu.memory_space<semaphore_mem>>) {add = true}
          %dma_wait3A = arith.constant 0 : i32
          %dma_wait3A_122 = tpu.memref_slice %arg5[%scan3A_117, %dma_wait3A] : memref<160x128xi32, #tpu.memory_space<vmem>> -> memref<1x128xi32, #tpu.memory_space<vmem>>
          %dma_wait3A_123 = tpu.memref_squeeze %dma_wait3A_122 : memref<1x128xi32, #tpu.memory_space<vmem>> -> memref<128xi32, #tpu.memory_space<vmem>>
          %dma_wait3A_124 = arith.constant 0 : i32
          %dma_wait3A_125 = tpu.memref_slice %arg4[%dma_wait3A_124] : memref<10112xf32, #tpu.memory_space<vmem_shared>> -> memref<10112xf32, #tpu.memory_space<vmem_shared>>
          tpu.wait_indirect_dma semaphore(%run_scoped3A : memref<!tpu.dma_semaphore, #tpu.memory_space<semaphore_mem>>) src(%arg6 : memref<128xf32, #tpu.memory_space<vmem>>) dst(%dma_wait3A_125 : memref<10112xf32, #tpu.memory_space<vmem_shared>>)
          tpu.yield
        }) : () -> ()
      }
      %scan3A_105 = arith.constant 160 : i32
      %barrier3A_106 = arith.constant 0 : index
      tpu.barrier barrier_id(%barrier3A_106)
      %mul3A_107 = arith.constant 632 : i32
      %mul3A_108 = arith.muli %mul3A_107, %arg1 : i32
      "tpu.region"() ({
        %run_scoped3A = tpu.sem_alloc : memref<!tpu.dma_semaphore, #tpu.memory_space<semaphore_mem>>
        %dma_start3A = tpu.memref_slice %arg4[%mul3A_108] : memref<10112xf32, #tpu.memory_space<vmem_shared>> -> memref<632xf32, #tpu.memory_space<vmem_shared>>
        %dma_start3A_117 = tpu.memref_slice %arg4[%mul3A_108] : memref<10112xf32, #tpu.memory_space<vmem_shared>> -> memref<632xf32, #tpu.memory_space<vmem_shared>>
        tpu.enqueue_dma source(%dma_start3A_117 : memref<632xf32, #tpu.memory_space<vmem_shared>>) target(%arg8 : memref<632xf32, #tpu.memory_space<vmem>>) target_semaphore(%run_scoped3A : memref<!tpu.dma_semaphore, #tpu.memory_space<semaphore_mem>>)
        %dma_wait3A = tpu.memref_slice %arg4[%mul3A_108] : memref<10112xf32, #tpu.memory_space<vmem_shared>> -> memref<632xf32, #tpu.memory_space<vmem_shared>>
        %dma_wait3A_118 = tpu.memref_slice %arg4[%mul3A_108] : memref<10112xf32, #tpu.memory_space<vmem_shared>> -> memref<632xf32, #tpu.memory_space<vmem_shared>>
        tpu.wait_dma2 semaphore(%run_scoped3A : memref<!tpu.dma_semaphore, #tpu.memory_space<semaphore_mem>>) src(%dma_wait3A_118 : memref<632xf32, #tpu.memory_space<vmem_shared>>) dst(%arg8 : memref<632xf32, #tpu.memory_space<vmem>>)
        tpu.yield
      }) : () -> ()
      %iota3A = tpu.iota {dimensions = array<i32: 0>} : vector<16xi32>
      %scan3A_109 = arith.constant 0 : i32
      %scan3A_110 = arith.constant 0 : i32
      %scan3A_111 = arith.constant 632 : i32
      %scan3A_112 = arith.addi %scan3A_110, %scan3A_111 : i32
      %scan3A_113 = arith.constant 1 : i32
      scf.for %scan3A_117 = %scan3A_110 to %scan3A_112 step %scan3A_113  : i32 {
        %broadcast_in_dim3A_118 = vector.broadcast %scan3A_117 : i32 to vector<16xi32>
        %gather3A = tpu.vector_load_idx %arg8[%broadcast_in_dim3A_118] : memref<632xf32, #tpu.memory_space<vmem>>[vector<16xi32>], vector<16xf32>,
        %broadcast_in_dim3A_119 = vector.broadcast %scan3A_117 : i32 to vector<16xi32>
        %add3A = arith.constant 0 : i32
        %add3A_120 = vector.broadcast %add3A : i32 to vector<16xi32>
        %add3A_121 = arith.addi %iota3A, %add3A_120 : vector<16xi32>
        tpu.vector_store_idx %arg9[%broadcast_in_dim3A_119, %add3A_121], %gather3A : memref<632x128xf32, #tpu.memory_space<vmem>>[vector<16xi32>, vector<16xi32>], vector<16xf32>,
        %broadcast_in_dim3A_122 = vector.broadcast %scan3A_117 : i32 to vector<16xi32>
        %add3A_123 = arith.constant 16 : i32
        %add3A_124 = vector.broadcast %add3A_123 : i32 to vector<16xi32>
        %add3A_125 = arith.addi %iota3A, %add3A_124 : vector<16xi32>
        tpu.vector_store_idx %arg9[%broadcast_in_dim3A_122, %add3A_125], %gather3A : memref<632x128xf32, #tpu.memory_space<vmem>>[vector<16xi32>, vector<16xi32>], vector<16xf32>,
        %broadcast_in_dim3A_126 = vector.broadcast %scan3A_117 : i32 to vector<16xi32>
        %add3A_127 = arith.constant 32 : i32
        %add3A_128 = vector.broadcast %add3A_127 : i32 to vector<16xi32>
        %add3A_129 = arith.addi %iota3A, %add3A_128 : vector<16xi32>
        tpu.vector_store_idx %arg9[%broadcast_in_dim3A_126, %add3A_129], %gather3A : memref<632x128xf32, #tpu.memory_space<vmem>>[vector<16xi32>, vector<16xi32>], vector<16xf32>,
        %broadcast_in_dim3A_130 = vector.broadcast %scan3A_117 : i32 to vector<16xi32>
        %add3A_131 = arith.constant 48 : i32
        %add3A_132 = vector.broadcast %add3A_131 : i32 to vector<16xi32>
        %add3A_133 = arith.addi %iota3A, %add3A_132 : vector<16xi32>
        tpu.vector_store_idx %arg9[%broadcast_in_dim3A_130, %add3A_133], %gather3A : memref<632x128xf32, #tpu.memory_space<vmem>>[vector<16xi32>, vector<16xi32>], vector<16xf32>,
        %broadcast_in_dim3A_134 = vector.broadcast %scan3A_117 : i32 to vector<16xi32>
        %add3A_135 = arith.constant 64 : i32
        %add3A_136 = vector.broadcast %add3A_135 : i32 to vector<16xi32>
        %add3A_137 = arith.addi %iota3A, %add3A_136 : vector<16xi32>
        tpu.vector_store_idx %arg9[%broadcast_in_dim3A_134, %add3A_137], %gather3A : memref<632x128xf32, #tpu.memory_space<vmem>>[vector<16xi32>, vector<16xi32>], vector<16xf32>,
        %broadcast_in_dim3A_138 = vector.broadcast %scan3A_117 : i32 to vector<16xi32>
        %add3A_139 = arith.constant 80 : i32
        %add3A_140 = vector.broadcast %add3A_139 : i32 to vector<16xi32>
        %add3A_141 = arith.addi %iota3A, %add3A_140 : vector<16xi32>
        tpu.vector_store_idx %arg9[%broadcast_in_dim3A_138, %add3A_141], %gather3A : memref<632x128xf32, #tpu.memory_space<vmem>>[vector<16xi32>, vector<16xi32>], vector<16xf32>,
        %broadcast_in_dim3A_142 = vector.broadcast %scan3A_117 : i32 to vector<16xi32>
        %add3A_143 = arith.constant 96 : i32
        %add3A_144 = vector.broadcast %add3A_143 : i32 to vector<16xi32>
        %add3A_145 = arith.addi %iota3A, %add3A_144 : vector<16xi32>
        tpu.vector_store_idx %arg9[%broadcast_in_dim3A_142, %add3A_145], %gather3A : memref<632x128xf32, #tpu.memory_space<vmem>>[vector<16xi32>, vector<16xi32>], vector<16xf32>,
        %broadcast_in_dim3A_146 = vector.broadcast %scan3A_117 : i32 to vector<16xi32>
        %add3A_147 = arith.constant 112 : i32
        %add3A_148 = vector.broadcast %add3A_147 : i32 to vector<16xi32>
        %add3A_149 = arith.addi %iota3A, %add3A_148 : vector<16xi32>
        tpu.vector_store_idx %arg9[%broadcast_in_dim3A_146, %add3A_149], %gather3A : memref<632x128xf32, #tpu.memory_space<vmem>>[vector<16xi32>, vector<16xi32>], vector<16xf32>,
      }
      %scan3A_114 = arith.constant 632 : i32
      %mul3A_115 = arith.constant 632 : i32
      %mul3A_116 = arith.muli %mul3A_115, %arg1 : i32
      "tpu.region"() ({
        %run_scoped3A = tpu.sem_alloc : memref<!tpu.dma_semaphore, #tpu.memory_space<semaphore_mem>>
        %dma_start3A = arith.constant 0 : i32
        %dma_start3A_117 = tpu.memref_slice %arg3[%mul3A_116, %dma_start3A] : memref<10112x128xf32, #tpu.memory_space<hbm>> -> memref<632x128xf32, #tpu.memory_space<hbm>>
        %dma_start3A_118 = arith.constant 0 : i32
        %dma_start3A_119 = tpu.memref_slice %arg3[%mul3A_116, %dma_start3A_118] : memref<10112x128xf32, #tpu.memory_space<hbm>> -> memref<632x128xf32, #tpu.memory_space<hbm>>
        tpu.enqueue_dma source(%arg9 : memref<632x128xf32, #tpu.memory_space<vmem>>) target(%dma_start3A_119 : memref<632x128xf32, #tpu.memory_space<hbm>>) target_semaphore(%run_scoped3A : memref<!tpu.dma_semaphore, #tpu.memory_space<semaphore_mem>>)
        %dma_wait3A = arith.constant 0 : i32
        %dma_wait3A_120 = tpu.memref_slice %arg3[%mul3A_116, %dma_wait3A] : memref<10112x128xf32, #tpu.memory_space<hbm>> -> memref<632x128xf32, #tpu.memory_space<hbm>>
        %dma_wait3A_121 = arith.constant 0 : i32
        %dma_wait3A_122 = tpu.memref_slice %arg3[%mul3A_116, %dma_wait3A_121] : memref<10112x128xf32, #tpu.memory_space<hbm>> -> memref<632x128xf32, #tpu.memory_space<hbm>>
        tpu.wait_dma2 semaphore(%run_scoped3A : memref<!tpu.dma_semaphore, #tpu.memory_space<semaphore_mem>>) src(%arg9 : memref<632x128xf32, #tpu.memory_space<vmem>>) dst(%dma_wait3A_122 : memref<632x128xf32, #tpu.memory_space<hbm>>)
        tpu.yield
      }) : () -> ()
    } else {
    }
    return
  }
}

#map = affine_map<(d0, d1) -> (0, 0)>
#map1 = affine_map<(d0, d1) -> (0, 0, 0)>
module attributes {stable_mosaic.version = 14 : i64} {
  func.func @_agg_body(%arg0: i32, %arg1: i32, %arg2: memref<10000x128xf32, #tpu.memory_space<hbm>>, %arg3: memref<32x80x128xi32, #tpu.memory_space<hbm>>, %arg4: memref<32x80x128xi32, #tpu.memory_space<hbm>>, %arg5: memref<10112x128xf32, #tpu.memory_space<hbm>>, %arg6: memref<2x10112x128xf32, #tpu.memory_space<hbm>>, %arg7: memref<10112x128xf32, #tpu.memory_space<vmem_shared>>, %arg8: memref<40x128xi32, #tpu.memory_space<vmem>>, %arg9: memref<40x128xi32, #tpu.memory_space<vmem>>, %arg10: memref<128x128xf32, #tpu.memory_space<vmem>>, %arg11: memref<128x128xf32, #tpu.memory_space<vmem>>, %arg12: memref<!tpu.dma_semaphore, #tpu.memory_space<semaphore_mem>>, %arg13: memref<!tpu.dma_semaphore, #tpu.memory_space<semaphore_mem>>) attributes {dimension_semantics = [#tpu.dimension_semantics<core_parallel>, #tpu.dimension_semantics<subcore_parallel>], iteration_bounds = array<i64: 2, 16>, scalar_prefetch = 0 : i64, scratch_operands = 7 : i64, tpu.core_type = #tpu.core_type<sc_vector_subcore>, window_params = [{transform_indices = #map}, {transform_indices = #map1}, {transform_indices = #map1}, {transform_indices = #map}, {transform_indices = #map1}]} {
    %mul3A = arith.constant 16 : i32
    %mul3A_0 = arith.muli %arg0, %mul3A : i32
    %add3A = arith.addi %mul3A_0, %arg1 : i32
    %mul3A_1 = arith.constant 632 : i32
    %mul3A_2 = arith.muli %mul3A_1, %arg1 : i32
    %mul3A_3 = arith.constant 632 : i32
    %mul3A_4 = arith.muli %mul3A_3, %arg1 : i32
    "tpu.region"() ({
      %run_scoped3A = tpu.sem_alloc : memref<!tpu.dma_semaphore, #tpu.memory_space<semaphore_mem>>
      %dma_start3A_48 = arith.constant 0 : i32
      %dma_start3A_49 = tpu.memref_slice %arg7[%mul3A_4, %dma_start3A_48] : memref<10112x128xf32, #tpu.memory_space<vmem_shared>> -> memref<632x128xf32, #tpu.memory_space<vmem_shared>>
      %dma_start3A_50 = arith.constant 0 : i32
      %dma_start3A_51 = tpu.memref_slice %arg5[%mul3A_2, %dma_start3A_50] : memref<10112x128xf32, #tpu.memory_space<hbm>> -> memref<632x128xf32, #tpu.memory_space<hbm>>
      tpu.enqueue_dma source(%dma_start3A_51 : memref<632x128xf32, #tpu.memory_space<hbm>>) target(%dma_start3A_49 : memref<632x128xf32, #tpu.memory_space<vmem_shared>>) target_semaphore(%run_scoped3A : memref<!tpu.dma_semaphore, #tpu.memory_space<semaphore_mem>>)
      %dma_wait3A = arith.constant 0 : i32
      %dma_wait3A_52 = tpu.memref_slice %arg7[%mul3A_4, %dma_wait3A] : memref<10112x128xf32, #tpu.memory_space<vmem_shared>> -> memref<632x128xf32, #tpu.memory_space<vmem_shared>>
      %dma_wait3A_53 = arith.constant 0 : i32
      %dma_wait3A_54 = tpu.memref_slice %arg5[%mul3A_2, %dma_wait3A_53] : memref<10112x128xf32, #tpu.memory_space<hbm>> -> memref<632x128xf32, #tpu.memory_space<hbm>>
      tpu.wait_dma2 semaphore(%run_scoped3A : memref<!tpu.dma_semaphore, #tpu.memory_space<semaphore_mem>>) src(%dma_wait3A_54 : memref<632x128xf32, #tpu.memory_space<hbm>>) dst(%dma_wait3A_52 : memref<632x128xf32, #tpu.memory_space<vmem_shared>>)
      tpu.yield
    }) : () -> ()
    %barrier3A = arith.constant 0 : index
    tpu.barrier barrier_id(%barrier3A)
    "tpu.region"() ({
      %run_scoped3A = tpu.sem_alloc : memref<!tpu.dma_semaphore, #tpu.memory_space<semaphore_mem>>
      %dma_start3A_48 = arith.constant 0 : i32
      %dma_start3A_49 = arith.constant 0 : i32
      %dma_start3A_50 = tpu.memref_slice %arg3[%add3A, %dma_start3A_48, %dma_start3A_49] : memref<32x80x128xi32, #tpu.memory_space<hbm>> -> memref<1x40x128xi32, #tpu.memory_space<hbm>>
      %dma_start3A_51 = tpu.memref_squeeze %dma_start3A_50 : memref<1x40x128xi32, #tpu.memory_space<hbm>> -> memref<40x128xi32, #tpu.memory_space<hbm>>
      %dma_start3A_52 = arith.constant 0 : i32
      %dma_start3A_53 = arith.constant 0 : i32
      %dma_start3A_54 = tpu.memref_slice %arg3[%add3A, %dma_start3A_52, %dma_start3A_53] : memref<32x80x128xi32, #tpu.memory_space<hbm>> -> memref<1x40x128xi32, #tpu.memory_space<hbm>>
      %dma_start3A_55 = tpu.memref_squeeze %dma_start3A_54 : memref<1x40x128xi32, #tpu.memory_space<hbm>> -> memref<40x128xi32, #tpu.memory_space<hbm>>
      tpu.enqueue_dma source(%dma_start3A_55 : memref<40x128xi32, #tpu.memory_space<hbm>>) target(%arg8 : memref<40x128xi32, #tpu.memory_space<vmem>>) target_semaphore(%run_scoped3A : memref<!tpu.dma_semaphore, #tpu.memory_space<semaphore_mem>>)
      %dma_wait3A = arith.constant 0 : i32
      %dma_wait3A_56 = arith.constant 0 : i32
      %dma_wait3A_57 = tpu.memref_slice %arg3[%add3A, %dma_wait3A, %dma_wait3A_56] : memref<32x80x128xi32, #tpu.memory_space<hbm>> -> memref<1x40x128xi32, #tpu.memory_space<hbm>>
      %dma_wait3A_58 = tpu.memref_squeeze %dma_wait3A_57 : memref<1x40x128xi32, #tpu.memory_space<hbm>> -> memref<40x128xi32, #tpu.memory_space<hbm>>
      %dma_wait3A_59 = arith.constant 0 : i32
      %dma_wait3A_60 = arith.constant 0 : i32
      %dma_wait3A_61 = tpu.memref_slice %arg3[%add3A, %dma_wait3A_59, %dma_wait3A_60] : memref<32x80x128xi32, #tpu.memory_space<hbm>> -> memref<1x40x128xi32, #tpu.memory_space<hbm>>
      %dma_wait3A_62 = tpu.memref_squeeze %dma_wait3A_61 : memref<1x40x128xi32, #tpu.memory_space<hbm>> -> memref<40x128xi32, #tpu.memory_space<hbm>>
      tpu.wait_dma2 semaphore(%run_scoped3A : memref<!tpu.dma_semaphore, #tpu.memory_space<semaphore_mem>>) src(%dma_wait3A_62 : memref<40x128xi32, #tpu.memory_space<hbm>>) dst(%arg8 : memref<40x128xi32, #tpu.memory_space<vmem>>)
      tpu.yield
    }) : () -> ()
    "tpu.region"() ({
      %run_scoped3A = tpu.sem_alloc : memref<!tpu.dma_semaphore, #tpu.memory_space<semaphore_mem>>
      %dma_start3A_48 = arith.constant 0 : i32
      %dma_start3A_49 = arith.constant 0 : i32
      %dma_start3A_50 = tpu.memref_slice %arg4[%add3A, %dma_start3A_48, %dma_start3A_49] : memref<32x80x128xi32, #tpu.memory_space<hbm>> -> memref<1x40x128xi32, #tpu.memory_space<hbm>>
      %dma_start3A_51 = tpu.memref_squeeze %dma_start3A_50 : memref<1x40x128xi32, #tpu.memory_space<hbm>> -> memref<40x128xi32, #tpu.memory_space<hbm>>
      %dma_start3A_52 = arith.constant 0 : i32
      %dma_start3A_53 = arith.constant 0 : i32
      %dma_start3A_54 = tpu.memref_slice %arg4[%add3A, %dma_start3A_52, %dma_start3A_53] : memref<32x80x128xi32, #tpu.memory_space<hbm>> -> memref<1x40x128xi32, #tpu.memory_space<hbm>>
      %dma_start3A_55 = tpu.memref_squeeze %dma_start3A_54 : memref<1x40x128xi32, #tpu.memory_space<hbm>> -> memref<40x128xi32, #tpu.memory_space<hbm>>
      tpu.enqueue_dma source(%dma_start3A_55 : memref<40x128xi32, #tpu.memory_space<hbm>>) target(%arg9 : memref<40x128xi32, #tpu.memory_space<vmem>>) target_semaphore(%run_scoped3A : memref<!tpu.dma_semaphore, #tpu.memory_space<semaphore_mem>>)
      %dma_wait3A = arith.constant 0 : i32
      %dma_wait3A_56 = arith.constant 0 : i32
      %dma_wait3A_57 = tpu.memref_slice %arg4[%add3A, %dma_wait3A, %dma_wait3A_56] : memref<32x80x128xi32, #tpu.memory_space<hbm>> -> memref<1x40x128xi32, #tpu.memory_space<hbm>>
      %dma_wait3A_58 = tpu.memref_squeeze %dma_wait3A_57 : memref<1x40x128xi32, #tpu.memory_space<hbm>> -> memref<40x128xi32, #tpu.memory_space<hbm>>
      %dma_wait3A_59 = arith.constant 0 : i32
      %dma_wait3A_60 = arith.constant 0 : i32
      %dma_wait3A_61 = tpu.memref_slice %arg4[%add3A, %dma_wait3A_59, %dma_wait3A_60] : memref<32x80x128xi32, #tpu.memory_space<hbm>> -> memref<1x40x128xi32, #tpu.memory_space<hbm>>
      %dma_wait3A_62 = tpu.memref_squeeze %dma_wait3A_61 : memref<1x40x128xi32, #tpu.memory_space<hbm>> -> memref<40x128xi32, #tpu.memory_space<hbm>>
      tpu.wait_dma2 semaphore(%run_scoped3A : memref<!tpu.dma_semaphore, #tpu.memory_space<semaphore_mem>>) src(%dma_wait3A_62 : memref<40x128xi32, #tpu.memory_space<hbm>>) dst(%arg9 : memref<40x128xi32, #tpu.memory_space<vmem>>)
      tpu.yield
    }) : () -> ()
    %dma_start3A = arith.constant 0 : i32
    %dma_start3A_5 = arith.constant 0 : i32
    %dma_start3A_6 = tpu.memref_slice %arg8[%dma_start3A, %dma_start3A_5] : memref<40x128xi32, #tpu.memory_space<vmem>> -> memref<1x128xi32, #tpu.memory_space<vmem>>
    %dma_start3A_7 = tpu.memref_squeeze %dma_start3A_6 : memref<1x128xi32, #tpu.memory_space<vmem>> -> memref<128xi32, #tpu.memory_space<vmem>>
    %dma_start3A_8 = arith.constant 0 : i32
    %dma_start3A_9 = arith.constant 0 : i32
    %dma_start3A_10 = tpu.memref_slice %arg2[%dma_start3A_8, %dma_start3A_9] : memref<10000x128xf32, #tpu.memory_space<hbm>> -> memref<10000x128xf32, #tpu.memory_space<hbm>>
    tpu.enqueue_indirect_dma source(%dma_start3A_10 : memref<10000x128xf32, #tpu.memory_space<hbm>>) target(%arg10 : memref<128x128xf32, #tpu.memory_space<vmem>>) offsets(%dma_start3A_7 : memref<128xi32, #tpu.memory_space<vmem>>) semaphore(%arg12 : memref<!tpu.dma_semaphore, #tpu.memory_space<semaphore_mem>>)
    %dma_start3A_11 = arith.constant 1 : i32
    %dma_start3A_12 = arith.constant 0 : i32
    %dma_start3A_13 = tpu.memref_slice %arg8[%dma_start3A_11, %dma_start3A_12] : memref<40x128xi32, #tpu.memory_space<vmem>> -> memref<1x128xi32, #tpu.memory_space<vmem>>
    %dma_start3A_14 = tpu.memref_squeeze %dma_start3A_13 : memref<1x128xi32, #tpu.memory_space<vmem>> -> memref<128xi32, #tpu.memory_space<vmem>>
    %dma_start3A_15 = arith.constant 0 : i32
    %dma_start3A_16 = arith.constant 0 : i32
    %dma_start3A_17 = tpu.memref_slice %arg2[%dma_start3A_15, %dma_start3A_16] : memref<10000x128xf32, #tpu.memory_space<hbm>> -> memref<10000x128xf32, #tpu.memory_space<hbm>>
    tpu.enqueue_indirect_dma source(%dma_start3A_17 : memref<10000x128xf32, #tpu.memory_space<hbm>>) target(%arg11 : memref<128x128xf32, #tpu.memory_space<vmem>>) offsets(%dma_start3A_14 : memref<128xi32, #tpu.memory_space<vmem>>) semaphore(%arg13 : memref<!tpu.dma_semaphore, #tpu.memory_space<semaphore_mem>>)
    %scan3A = arith.constant 0 : i32
    %scan3A_18 = arith.constant 0 : i32
    %scan3A_19 = arith.constant 20 : i32
    %scan3A_20 = arith.addi %scan3A_18, %scan3A_19 : i32
    %scan3A_21 = arith.constant 1 : i32
    scf.for %scan3A_48 = %scan3A_18 to %scan3A_20 step %scan3A_21  : i32 {
      %mul3A_49 = arith.constant 2 : i32
      %mul3A_50 = arith.muli %scan3A_48, %mul3A_49 : i32
      %add3A_51 = arith.constant 0 : i32
      %add3A_52 = arith.addi %mul3A_50, %add3A_51 : i32
      %dma_wait3A = arith.constant 0 : i32
      %dma_wait3A_53 = tpu.memref_slice %arg8[%add3A_52, %dma_wait3A] : memref<40x128xi32, #tpu.memory_space<vmem>> -> memref<1x128xi32, #tpu.memory_space<vmem>>
      %dma_wait3A_54 = tpu.memref_squeeze %dma_wait3A_53 : memref<1x128xi32, #tpu.memory_space<vmem>> -> memref<128xi32, #tpu.memory_space<vmem>>
      %dma_wait3A_55 = arith.constant 0 : i32
      %dma_wait3A_56 = arith.constant 0 : i32
      %dma_wait3A_57 = tpu.memref_slice %arg2[%dma_wait3A_55, %dma_wait3A_56] : memref<10000x128xf32, #tpu.memory_space<hbm>> -> memref<10000x128xf32, #tpu.memory_space<hbm>>
      tpu.wait_indirect_dma semaphore(%arg12 : memref<!tpu.dma_semaphore, #tpu.memory_space<semaphore_mem>>) src(%dma_wait3A_57 : memref<10000x128xf32, #tpu.memory_space<hbm>>) dst(%arg10 : memref<128x128xf32, #tpu.memory_space<vmem>>)
      "tpu.region"() ({
        %run_scoped3A = tpu.sem_alloc : memref<!tpu.dma_semaphore, #tpu.memory_space<semaphore_mem>>
        %dma_start3A_79 = arith.constant 0 : i32
        %dma_start3A_80 = tpu.memref_slice %arg9[%add3A_52, %dma_start3A_79] : memref<40x128xi32, #tpu.memory_space<vmem>> -> memref<1x128xi32, #tpu.memory_space<vmem>>
        %dma_start3A_81 = tpu.memref_squeeze %dma_start3A_80 : memref<1x128xi32, #tpu.memory_space<vmem>> -> memref<128xi32, #tpu.memory_space<vmem>>
        %dma_start3A_82 = arith.constant 0 : i32
        %dma_start3A_83 = arith.constant 0 : i32
        %dma_start3A_84 = tpu.memref_slice %arg7[%dma_start3A_82, %dma_start3A_83] : memref<10112x128xf32, #tpu.memory_space<vmem_shared>> -> memref<10112x128xf32, #tpu.memory_space<vmem_shared>>
        tpu.enqueue_indirect_dma source(%arg10 : memref<128x128xf32, #tpu.memory_space<vmem>>) target(%dma_start3A_84 : memref<10112x128xf32, #tpu.memory_space<vmem_shared>>) offsets(%dma_start3A_81 : memref<128xi32, #tpu.memory_space<vmem>>) semaphore(%run_scoped3A : memref<!tpu.dma_semaphore, #tpu.memory_space<semaphore_mem>>) {add = true}
        %dma_wait3A_85 = arith.constant 0 : i32
        %dma_wait3A_86 = tpu.memref_slice %arg9[%add3A_52, %dma_wait3A_85] : memref<40x128xi32, #tpu.memory_space<vmem>> -> memref<1x128xi32, #tpu.memory_space<vmem>>
        %dma_wait3A_87 = tpu.memref_squeeze %dma_wait3A_86 : memref<1x128xi32, #tpu.memory_space<vmem>> -> memref<128xi32, #tpu.memory_space<vmem>>
        %dma_wait3A_88 = arith.constant 0 : i32
        %dma_wait3A_89 = arith.constant 0 : i32
        %dma_wait3A_90 = tpu.memref_slice %arg7[%dma_wait3A_88, %dma_wait3A_89] : memref<10112x128xf32, #tpu.memory_space<vmem_shared>> -> memref<10112x128xf32, #tpu.memory_space<vmem_shared>>
        tpu.wait_indirect_dma semaphore(%run_scoped3A : memref<!tpu.dma_semaphore, #tpu.memory_space<semaphore_mem>>) src(%arg10 : memref<128x128xf32, #tpu.memory_space<vmem>>) dst(%dma_wait3A_90 : memref<10112x128xf32, #tpu.memory_space<vmem_shared>>)
        tpu.yield
      }) : () -> ()
      %add3A_58 = arith.constant 2 : i32
      %add3A_59 = arith.addi %add3A_52, %add3A_58 : i32
      %lt3A = arith.constant 40 : i32
      %lt3A_60 = arith.cmpi slt, %add3A_59, %lt3A : i32
      %convert_element_type3A = arith.extui %lt3A_60 : i1 to i32
      %cond3A = arith.constant 0 : i32
      %cond3A_61 = arith.cmpi ne, %convert_element_type3A, %cond3A : i32
      scf.if %cond3A_61 {
        %add3A_79 = arith.constant 2 : i32
        %add3A_80 = arith.addi %add3A_52, %add3A_79 : i32
        %dma_start3A_81 = arith.constant 0 : i32
        %dma_start3A_82 = tpu.memref_slice %arg8[%add3A_80, %dma_start3A_81] : memref<40x128xi32, #tpu.memory_space<vmem>> -> memref<1x128xi32, #tpu.memory_space<vmem>>
        %dma_start3A_83 = tpu.memref_squeeze %dma_start3A_82 : memref<1x128xi32, #tpu.memory_space<vmem>> -> memref<128xi32, #tpu.memory_space<vmem>>
        %dma_start3A_84 = arith.constant 0 : i32
        %dma_start3A_85 = arith.constant 0 : i32
        %dma_start3A_86 = tpu.memref_slice %arg2[%dma_start3A_84, %dma_start3A_85] : memref<10000x128xf32, #tpu.memory_space<hbm>> -> memref<10000x128xf32, #tpu.memory_space<hbm>>
        tpu.enqueue_indirect_dma source(%dma_start3A_86 : memref<10000x128xf32, #tpu.memory_space<hbm>>) target(%arg10 : memref<128x128xf32, #tpu.memory_space<vmem>>) offsets(%dma_start3A_83 : memref<128xi32, #tpu.memory_space<vmem>>) semaphore(%arg12 : memref<!tpu.dma_semaphore, #tpu.memory_space<semaphore_mem>>)
      } else {
      }
      %mul3A_62 = arith.constant 2 : i32
      %mul3A_63 = arith.muli %scan3A_48, %mul3A_62 : i32
      %add3A_64 = arith.constant 1 : i32
      %add3A_65 = arith.addi %mul3A_63, %add3A_64 : i32
      %dma_wait3A_66 = arith.constant 0 : i32
      %dma_wait3A_67 = tpu.memref_slice %arg8[%add3A_65, %dma_wait3A_66] : memref<40x128xi32, #tpu.memory_space<vmem>> -> memref<1x128xi32, #tpu.memory_space<vmem>>
      %dma_wait3A_68 = tpu.memref_squeeze %dma_wait3A_67 : memref<1x128xi32, #tpu.memory_space<vmem>> -> memref<128xi32, #tpu.memory_space<vmem>>
      %dma_wait3A_69 = arith.constant 0 : i32
      %dma_wait3A_70 = arith.constant 0 : i32
      %dma_wait3A_71 = tpu.memref_slice %arg2[%dma_wait3A_69, %dma_wait3A_70] : memref<10000x128xf32, #tpu.memory_space<hbm>> -> memref<10000x128xf32, #tpu.memory_space<hbm>>
      tpu.wait_indirect_dma semaphore(%arg13 : memref<!tpu.dma_semaphore, #tpu.memory_space<semaphore_mem>>) src(%dma_wait3A_71 : memref<10000x128xf32, #tpu.memory_space<hbm>>) dst(%arg11 : memref<128x128xf32, #tpu.memory_space<vmem>>)
      "tpu.region"() ({
        %run_scoped3A = tpu.sem_alloc : memref<!tpu.dma_semaphore, #tpu.memory_space<semaphore_mem>>
        %dma_start3A_79 = arith.constant 0 : i32
        %dma_start3A_80 = tpu.memref_slice %arg9[%add3A_65, %dma_start3A_79] : memref<40x128xi32, #tpu.memory_space<vmem>> -> memref<1x128xi32, #tpu.memory_space<vmem>>
        %dma_start3A_81 = tpu.memref_squeeze %dma_start3A_80 : memref<1x128xi32, #tpu.memory_space<vmem>> -> memref<128xi32, #tpu.memory_space<vmem>>
        %dma_start3A_82 = arith.constant 0 : i32
        %dma_start3A_83 = arith.constant 0 : i32
        %dma_start3A_84 = tpu.memref_slice %arg7[%dma_start3A_82, %dma_start3A_83] : memref<10112x128xf32, #tpu.memory_space<vmem_shared>> -> memref<10112x128xf32, #tpu.memory_space<vmem_shared>>
        tpu.enqueue_indirect_dma source(%arg11 : memref<128x128xf32, #tpu.memory_space<vmem>>) target(%dma_start3A_84 : memref<10112x128xf32, #tpu.memory_space<vmem_shared>>) offsets(%dma_start3A_81 : memref<128xi32, #tpu.memory_space<vmem>>) semaphore(%run_scoped3A : memref<!tpu.dma_semaphore, #tpu.memory_space<semaphore_mem>>) {add = true}
        %dma_wait3A_85 = arith.constant 0 : i32
        %dma_wait3A_86 = tpu.memref_slice %arg9[%add3A_65, %dma_wait3A_85] : memref<40x128xi32, #tpu.memory_space<vmem>> -> memref<1x128xi32, #tpu.memory_space<vmem>>
        %dma_wait3A_87 = tpu.memref_squeeze %dma_wait3A_86 : memref<1x128xi32, #tpu.memory_space<vmem>> -> memref<128xi32, #tpu.memory_space<vmem>>
        %dma_wait3A_88 = arith.constant 0 : i32
        %dma_wait3A_89 = arith.constant 0 : i32
        %dma_wait3A_90 = tpu.memref_slice %arg7[%dma_wait3A_88, %dma_wait3A_89] : memref<10112x128xf32, #tpu.memory_space<vmem_shared>> -> memref<10112x128xf32, #tpu.memory_space<vmem_shared>>
        tpu.wait_indirect_dma semaphore(%run_scoped3A : memref<!tpu.dma_semaphore, #tpu.memory_space<semaphore_mem>>) src(%arg11 : memref<128x128xf32, #tpu.memory_space<vmem>>) dst(%dma_wait3A_90 : memref<10112x128xf32, #tpu.memory_space<vmem_shared>>)
        tpu.yield
      }) : () -> ()
      %add3A_72 = arith.constant 2 : i32
      %add3A_73 = arith.addi %add3A_65, %add3A_72 : i32
      %lt3A_74 = arith.constant 40 : i32
      %lt3A_75 = arith.cmpi slt, %add3A_73, %lt3A_74 : i32
      %convert_element_type3A_76 = arith.extui %lt3A_75 : i1 to i32
      %cond3A_77 = arith.constant 0 : i32
      %cond3A_78 = arith.cmpi ne, %convert_element_type3A_76, %cond3A_77 : i32
      scf.if %cond3A_78 {
        %add3A_79 = arith.constant 2 : i32
        %add3A_80 = arith.addi %add3A_65, %add3A_79 : i32
        %dma_start3A_81 = arith.constant 0 : i32
        %dma_start3A_82 = tpu.memref_slice %arg8[%add3A_80, %dma_start3A_81] : memref<40x128xi32, #tpu.memory_space<vmem>> -> memref<1x128xi32, #tpu.memory_space<vmem>>
        %dma_start3A_83 = tpu.memref_squeeze %dma_start3A_82 : memref<1x128xi32, #tpu.memory_space<vmem>> -> memref<128xi32, #tpu.memory_space<vmem>>
        %dma_start3A_84 = arith.constant 0 : i32
        %dma_start3A_85 = arith.constant 0 : i32
        %dma_start3A_86 = tpu.memref_slice %arg2[%dma_start3A_84, %dma_start3A_85] : memref<10000x128xf32, #tpu.memory_space<hbm>> -> memref<10000x128xf32, #tpu.memory_space<hbm>>
        tpu.enqueue_indirect_dma source(%dma_start3A_86 : memref<10000x128xf32, #tpu.memory_space<hbm>>) target(%arg11 : memref<128x128xf32, #tpu.memory_space<vmem>>) offsets(%dma_start3A_83 : memref<128xi32, #tpu.memory_space<vmem>>) semaphore(%arg13 : memref<!tpu.dma_semaphore, #tpu.memory_space<semaphore_mem>>)
      } else {
      }
    }
    %scan3A_22 = arith.constant 20 : i32
    "tpu.region"() ({
      %run_scoped3A = tpu.sem_alloc : memref<!tpu.dma_semaphore, #tpu.memory_space<semaphore_mem>>
      %dma_start3A_48 = arith.constant 40 : i32
      %dma_start3A_49 = arith.constant 0 : i32
      %dma_start3A_50 = tpu.memref_slice %arg3[%add3A, %dma_start3A_48, %dma_start3A_49] : memref<32x80x128xi32, #tpu.memory_space<hbm>> -> memref<1x40x128xi32, #tpu.memory_space<hbm>>
      %dma_start3A_51 = tpu.memref_squeeze %dma_start3A_50 : memref<1x40x128xi32, #tpu.memory_space<hbm>> -> memref<40x128xi32, #tpu.memory_space<hbm>>
      %dma_start3A_52 = arith.constant 40 : i32
      %dma_start3A_53 = arith.constant 0 : i32
      %dma_start3A_54 = tpu.memref_slice %arg3[%add3A, %dma_start3A_52, %dma_start3A_53] : memref<32x80x128xi32, #tpu.memory_space<hbm>> -> memref<1x40x128xi32, #tpu.memory_space<hbm>>
      %dma_start3A_55 = tpu.memref_squeeze %dma_start3A_54 : memref<1x40x128xi32, #tpu.memory_space<hbm>> -> memref<40x128xi32, #tpu.memory_space<hbm>>
      tpu.enqueue_dma source(%dma_start3A_55 : memref<40x128xi32, #tpu.memory_space<hbm>>) target(%arg8 : memref<40x128xi32, #tpu.memory_space<vmem>>) target_semaphore(%run_scoped3A : memref<!tpu.dma_semaphore, #tpu.memory_space<semaphore_mem>>)
      %dma_wait3A = arith.constant 40 : i32
      %dma_wait3A_56 = arith.constant 0 : i32
      %dma_wait3A_57 = tpu.memref_slice %arg3[%add3A, %dma_wait3A, %dma_wait3A_56] : memref<32x80x128xi32, #tpu.memory_space<hbm>> -> memref<1x40x128xi32, #tpu.memory_space<hbm>>
      %dma_wait3A_58 = tpu.memref_squeeze %dma_wait3A_57 : memref<1x40x128xi32, #tpu.memory_space<hbm>> -> memref<40x128xi32, #tpu.memory_space<hbm>>
      %dma_wait3A_59 = arith.constant 40 : i32
      %dma_wait3A_60 = arith.constant 0 : i32
      %dma_wait3A_61 = tpu.memref_slice %arg3[%add3A, %dma_wait3A_59, %dma_wait3A_60] : memref<32x80x128xi32, #tpu.memory_space<hbm>> -> memref<1x40x128xi32, #tpu.memory_space<hbm>>
      %dma_wait3A_62 = tpu.memref_squeeze %dma_wait3A_61 : memref<1x40x128xi32, #tpu.memory_space<hbm>> -> memref<40x128xi32, #tpu.memory_space<hbm>>
      tpu.wait_dma2 semaphore(%run_scoped3A : memref<!tpu.dma_semaphore, #tpu.memory_space<semaphore_mem>>) src(%dma_wait3A_62 : memref<40x128xi32, #tpu.memory_space<hbm>>) dst(%arg8 : memref<40x128xi32, #tpu.memory_space<vmem>>)
      tpu.yield
    }) : () -> ()
    "tpu.region"() ({
      %run_scoped3A = tpu.sem_alloc : memref<!tpu.dma_semaphore, #tpu.memory_space<semaphore_mem>>
      %dma_start3A_48 = arith.constant 40 : i32
      %dma_start3A_49 = arith.constant 0 : i32
      %dma_start3A_50 = tpu.memref_slice %arg4[%add3A, %dma_start3A_48, %dma_start3A_49] : memref<32x80x128xi32, #tpu.memory_space<hbm>> -> memref<1x40x128xi32, #tpu.memory_space<hbm>>
      %dma_start3A_51 = tpu.memref_squeeze %dma_start3A_50 : memref<1x40x128xi32, #tpu.memory_space<hbm>> -> memref<40x128xi32, #tpu.memory_space<hbm>>
      %dma_start3A_52 = arith.constant 40 : i32
      %dma_start3A_53 = arith.constant 0 : i32
      %dma_start3A_54 = tpu.memref_slice %arg4[%add3A, %dma_start3A_52, %dma_start3A_53] : memref<32x80x128xi32, #tpu.memory_space<hbm>> -> memref<1x40x128xi32, #tpu.memory_space<hbm>>
      %dma_start3A_55 = tpu.memref_squeeze %dma_start3A_54 : memref<1x40x128xi32, #tpu.memory_space<hbm>> -> memref<40x128xi32, #tpu.memory_space<hbm>>
      tpu.enqueue_dma source(%dma_start3A_55 : memref<40x128xi32, #tpu.memory_space<hbm>>) target(%arg9 : memref<40x128xi32, #tpu.memory_space<vmem>>) target_semaphore(%run_scoped3A : memref<!tpu.dma_semaphore, #tpu.memory_space<semaphore_mem>>)
      %dma_wait3A = arith.constant 40 : i32
      %dma_wait3A_56 = arith.constant 0 : i32
      %dma_wait3A_57 = tpu.memref_slice %arg4[%add3A, %dma_wait3A, %dma_wait3A_56] : memref<32x80x128xi32, #tpu.memory_space<hbm>> -> memref<1x40x128xi32, #tpu.memory_space<hbm>>
      %dma_wait3A_58 = tpu.memref_squeeze %dma_wait3A_57 : memref<1x40x128xi32, #tpu.memory_space<hbm>> -> memref<40x128xi32, #tpu.memory_space<hbm>>
      %dma_wait3A_59 = arith.constant 40 : i32
      %dma_wait3A_60 = arith.constant 0 : i32
      %dma_wait3A_61 = tpu.memref_slice %arg4[%add3A, %dma_wait3A_59, %dma_wait3A_60] : memref<32x80x128xi32, #tpu.memory_space<hbm>> -> memref<1x40x128xi32, #tpu.memory_space<hbm>>
      %dma_wait3A_62 = tpu.memref_squeeze %dma_wait3A_61 : memref<1x40x128xi32, #tpu.memory_space<hbm>> -> memref<40x128xi32, #tpu.memory_space<hbm>>
      tpu.wait_dma2 semaphore(%run_scoped3A : memref<!tpu.dma_semaphore, #tpu.memory_space<semaphore_mem>>) src(%dma_wait3A_62 : memref<40x128xi32, #tpu.memory_space<hbm>>) dst(%arg9 : memref<40x128xi32, #tpu.memory_space<vmem>>)
      tpu.yield
    }) : () -> ()
    %dma_start3A_23 = arith.constant 0 : i32
    %dma_start3A_24 = arith.constant 0 : i32
    %dma_start3A_25 = tpu.memref_slice %arg8[%dma_start3A_23, %dma_start3A_24] : memref<40x128xi32, #tpu.memory_space<vmem>> -> memref<1x128xi32, #tpu.memory_space<vmem>>
    %dma_start3A_26 = tpu.memref_squeeze %dma_start3A_25 : memref<1x128xi32, #tpu.memory_space<vmem>> -> memref<128xi32, #tpu.memory_space<vmem>>
    %dma_start3A_27 = arith.constant 0 : i32
    %dma_start3A_28 = arith.constant 0 : i32
    %dma_start3A_29 = tpu.memref_slice %arg2[%dma_start3A_27, %dma_start3A_28] : memref<10000x128xf32, #tpu.memory_space<hbm>> -> memref<10000x128xf32, #tpu.memory_space<hbm>>
    tpu.enqueue_indirect_dma source(%dma_start3A_29 : memref<10000x128xf32, #tpu.memory_space<hbm>>) target(%arg10 : memref<128x128xf32, #tpu.memory_space<vmem>>) offsets(%dma_start3A_26 : memref<128xi32, #tpu.memory_space<vmem>>) semaphore(%arg12 : memref<!tpu.dma_semaphore, #tpu.memory_space<semaphore_mem>>)
    %dma_start3A_30 = arith.constant 1 : i32
    %dma_start3A_31 = arith.constant 0 : i32
    %dma_start3A_32 = tpu.memref_slice %arg8[%dma_start3A_30, %dma_start3A_31] : memref<40x128xi32, #tpu.memory_space<vmem>> -> memref<1x128xi32, #tpu.memory_space<vmem>>
    %dma_start3A_33 = tpu.memref_squeeze %dma_start3A_32 : memref<1x128xi32, #tpu.memory_space<vmem>> -> memref<128xi32, #tpu.memory_space<vmem>>
    %dma_start3A_34 = arith.constant 0 : i32
    %dma_start3A_35 = arith.constant 0 : i32
    %dma_start3A_36 = tpu.memref_slice %arg2[%dma_start3A_34, %dma_start3A_35] : memref<10000x128xf32, #tpu.memory_space<hbm>> -> memref<10000x128xf32, #tpu.memory_space<hbm>>
    tpu.enqueue_indirect_dma source(%dma_start3A_36 : memref<10000x128xf32, #tpu.memory_space<hbm>>) target(%arg11 : memref<128x128xf32, #tpu.memory_space<vmem>>) offsets(%dma_start3A_33 : memref<128xi32, #tpu.memory_space<vmem>>) semaphore(%arg13 : memref<!tpu.dma_semaphore, #tpu.memory_space<semaphore_mem>>)
    %scan3A_37 = arith.constant 0 : i32
    %scan3A_38 = arith.constant 0 : i32
    %scan3A_39 = arith.constant 20 : i32
    %scan3A_40 = arith.addi %scan3A_38, %scan3A_39 : i32
    %scan3A_41 = arith.constant 1 : i32
    scf.for %scan3A_48 = %scan3A_38 to %scan3A_40 step %scan3A_41  : i32 {
      %mul3A_49 = arith.constant 2 : i32
      %mul3A_50 = arith.muli %scan3A_48, %mul3A_49 : i32
      %add3A_51 = arith.constant 0 : i32
      %add3A_52 = arith.addi %mul3A_50, %add3A_51 : i32
      %dma_wait3A = arith.constant 0 : i32
      %dma_wait3A_53 = tpu.memref_slice %arg8[%add3A_52, %dma_wait3A] : memref<40x128xi32, #tpu.memory_space<vmem>> -> memref<1x128xi32, #tpu.memory_space<vmem>>
      %dma_wait3A_54 = tpu.memref_squeeze %dma_wait3A_53 : memref<1x128xi32, #tpu.memory_space<vmem>> -> memref<128xi32, #tpu.memory_space<vmem>>
      %dma_wait3A_55 = arith.constant 0 : i32
      %dma_wait3A_56 = arith.constant 0 : i32
      %dma_wait3A_57 = tpu.memref_slice %arg2[%dma_wait3A_55, %dma_wait3A_56] : memref<10000x128xf32, #tpu.memory_space<hbm>> -> memref<10000x128xf32, #tpu.memory_space<hbm>>
      tpu.wait_indirect_dma semaphore(%arg12 : memref<!tpu.dma_semaphore, #tpu.memory_space<semaphore_mem>>) src(%dma_wait3A_57 : memref<10000x128xf32, #tpu.memory_space<hbm>>) dst(%arg10 : memref<128x128xf32, #tpu.memory_space<vmem>>)
      "tpu.region"() ({
        %run_scoped3A = tpu.sem_alloc : memref<!tpu.dma_semaphore, #tpu.memory_space<semaphore_mem>>
        %dma_start3A_79 = arith.constant 0 : i32
        %dma_start3A_80 = tpu.memref_slice %arg9[%add3A_52, %dma_start3A_79] : memref<40x128xi32, #tpu.memory_space<vmem>> -> memref<1x128xi32, #tpu.memory_space<vmem>>
        %dma_start3A_81 = tpu.memref_squeeze %dma_start3A_80 : memref<1x128xi32, #tpu.memory_space<vmem>> -> memref<128xi32, #tpu.memory_space<vmem>>
        %dma_start3A_82 = arith.constant 0 : i32
        %dma_start3A_83 = arith.constant 0 : i32
        %dma_start3A_84 = tpu.memref_slice %arg7[%dma_start3A_82, %dma_start3A_83] : memref<10112x128xf32, #tpu.memory_space<vmem_shared>> -> memref<10112x128xf32, #tpu.memory_space<vmem_shared>>
        tpu.enqueue_indirect_dma source(%arg10 : memref<128x128xf32, #tpu.memory_space<vmem>>) target(%dma_start3A_84 : memref<10112x128xf32, #tpu.memory_space<vmem_shared>>) offsets(%dma_start3A_81 : memref<128xi32, #tpu.memory_space<vmem>>) semaphore(%run_scoped3A : memref<!tpu.dma_semaphore, #tpu.memory_space<semaphore_mem>>) {add = true}
        %dma_wait3A_85 = arith.constant 0 : i32
        %dma_wait3A_86 = tpu.memref_slice %arg9[%add3A_52, %dma_wait3A_85] : memref<40x128xi32, #tpu.memory_space<vmem>> -> memref<1x128xi32, #tpu.memory_space<vmem>>
        %dma_wait3A_87 = tpu.memref_squeeze %dma_wait3A_86 : memref<1x128xi32, #tpu.memory_space<vmem>> -> memref<128xi32, #tpu.memory_space<vmem>>
        %dma_wait3A_88 = arith.constant 0 : i32
        %dma_wait3A_89 = arith.constant 0 : i32
        %dma_wait3A_90 = tpu.memref_slice %arg7[%dma_wait3A_88, %dma_wait3A_89] : memref<10112x128xf32, #tpu.memory_space<vmem_shared>> -> memref<10112x128xf32, #tpu.memory_space<vmem_shared>>
        tpu.wait_indirect_dma semaphore(%run_scoped3A : memref<!tpu.dma_semaphore, #tpu.memory_space<semaphore_mem>>) src(%arg10 : memref<128x128xf32, #tpu.memory_space<vmem>>) dst(%dma_wait3A_90 : memref<10112x128xf32, #tpu.memory_space<vmem_shared>>)
        tpu.yield
      }) : () -> ()
      %add3A_58 = arith.constant 2 : i32
      %add3A_59 = arith.addi %add3A_52, %add3A_58 : i32
      %lt3A = arith.constant 40 : i32
      %lt3A_60 = arith.cmpi slt, %add3A_59, %lt3A : i32
      %convert_element_type3A = arith.extui %lt3A_60 : i1 to i32
      %cond3A = arith.constant 0 : i32
      %cond3A_61 = arith.cmpi ne, %convert_element_type3A, %cond3A : i32
      scf.if %cond3A_61 {
        %add3A_79 = arith.constant 2 : i32
        %add3A_80 = arith.addi %add3A_52, %add3A_79 : i32
        %dma_start3A_81 = arith.constant 0 : i32
        %dma_start3A_82 = tpu.memref_slice %arg8[%add3A_80, %dma_start3A_81] : memref<40x128xi32, #tpu.memory_space<vmem>> -> memref<1x128xi32, #tpu.memory_space<vmem>>
        %dma_start3A_83 = tpu.memref_squeeze %dma_start3A_82 : memref<1x128xi32, #tpu.memory_space<vmem>> -> memref<128xi32, #tpu.memory_space<vmem>>
        %dma_start3A_84 = arith.constant 0 : i32
        %dma_start3A_85 = arith.constant 0 : i32
        %dma_start3A_86 = tpu.memref_slice %arg2[%dma_start3A_84, %dma_start3A_85] : memref<10000x128xf32, #tpu.memory_space<hbm>> -> memref<10000x128xf32, #tpu.memory_space<hbm>>
        tpu.enqueue_indirect_dma source(%dma_start3A_86 : memref<10000x128xf32, #tpu.memory_space<hbm>>) target(%arg10 : memref<128x128xf32, #tpu.memory_space<vmem>>) offsets(%dma_start3A_83 : memref<128xi32, #tpu.memory_space<vmem>>) semaphore(%arg12 : memref<!tpu.dma_semaphore, #tpu.memory_space<semaphore_mem>>)
      } else {
      }
      %mul3A_62 = arith.constant 2 : i32
      %mul3A_63 = arith.muli %scan3A_48, %mul3A_62 : i32
      %add3A_64 = arith.constant 1 : i32
      %add3A_65 = arith.addi %mul3A_63, %add3A_64 : i32
      %dma_wait3A_66 = arith.constant 0 : i32
      %dma_wait3A_67 = tpu.memref_slice %arg8[%add3A_65, %dma_wait3A_66] : memref<40x128xi32, #tpu.memory_space<vmem>> -> memref<1x128xi32, #tpu.memory_space<vmem>>
      %dma_wait3A_68 = tpu.memref_squeeze %dma_wait3A_67 : memref<1x128xi32, #tpu.memory_space<vmem>> -> memref<128xi32, #tpu.memory_space<vmem>>
      %dma_wait3A_69 = arith.constant 0 : i32
      %dma_wait3A_70 = arith.constant 0 : i32
      %dma_wait3A_71 = tpu.memref_slice %arg2[%dma_wait3A_69, %dma_wait3A_70] : memref<10000x128xf32, #tpu.memory_space<hbm>> -> memref<10000x128xf32, #tpu.memory_space<hbm>>
      tpu.wait_indirect_dma semaphore(%arg13 : memref<!tpu.dma_semaphore, #tpu.memory_space<semaphore_mem>>) src(%dma_wait3A_71 : memref<10000x128xf32, #tpu.memory_space<hbm>>) dst(%arg11 : memref<128x128xf32, #tpu.memory_space<vmem>>)
      "tpu.region"() ({
        %run_scoped3A = tpu.sem_alloc : memref<!tpu.dma_semaphore, #tpu.memory_space<semaphore_mem>>
        %dma_start3A_79 = arith.constant 0 : i32
        %dma_start3A_80 = tpu.memref_slice %arg9[%add3A_65, %dma_start3A_79] : memref<40x128xi32, #tpu.memory_space<vmem>> -> memref<1x128xi32, #tpu.memory_space<vmem>>
        %dma_start3A_81 = tpu.memref_squeeze %dma_start3A_80 : memref<1x128xi32, #tpu.memory_space<vmem>> -> memref<128xi32, #tpu.memory_space<vmem>>
        %dma_start3A_82 = arith.constant 0 : i32
        %dma_start3A_83 = arith.constant 0 : i32
        %dma_start3A_84 = tpu.memref_slice %arg7[%dma_start3A_82, %dma_start3A_83] : memref<10112x128xf32, #tpu.memory_space<vmem_shared>> -> memref<10112x128xf32, #tpu.memory_space<vmem_shared>>
        tpu.enqueue_indirect_dma source(%arg11 : memref<128x128xf32, #tpu.memory_space<vmem>>) target(%dma_start3A_84 : memref<10112x128xf32, #tpu.memory_space<vmem_shared>>) offsets(%dma_start3A_81 : memref<128xi32, #tpu.memory_space<vmem>>) semaphore(%run_scoped3A : memref<!tpu.dma_semaphore, #tpu.memory_space<semaphore_mem>>) {add = true}
        %dma_wait3A_85 = arith.constant 0 : i32
        %dma_wait3A_86 = tpu.memref_slice %arg9[%add3A_65, %dma_wait3A_85] : memref<40x128xi32, #tpu.memory_space<vmem>> -> memref<1x128xi32, #tpu.memory_space<vmem>>
        %dma_wait3A_87 = tpu.memref_squeeze %dma_wait3A_86 : memref<1x128xi32, #tpu.memory_space<vmem>> -> memref<128xi32, #tpu.memory_space<vmem>>
        %dma_wait3A_88 = arith.constant 0 : i32
        %dma_wait3A_89 = arith.constant 0 : i32
        %dma_wait3A_90 = tpu.memref_slice %arg7[%dma_wait3A_88, %dma_wait3A_89] : memref<10112x128xf32, #tpu.memory_space<vmem_shared>> -> memref<10112x128xf32, #tpu.memory_space<vmem_shared>>
        tpu.wait_indirect_dma semaphore(%run_scoped3A : memref<!tpu.dma_semaphore, #tpu.memory_space<semaphore_mem>>) src(%arg11 : memref<128x128xf32, #tpu.memory_space<vmem>>) dst(%dma_wait3A_90 : memref<10112x128xf32, #tpu.memory_space<vmem_shared>>)
        tpu.yield
      }) : () -> ()
      %add3A_72 = arith.constant 2 : i32
      %add3A_73 = arith.addi %add3A_65, %add3A_72 : i32
      %lt3A_74 = arith.constant 40 : i32
      %lt3A_75 = arith.cmpi slt, %add3A_73, %lt3A_74 : i32
      %convert_element_type3A_76 = arith.extui %lt3A_75 : i1 to i32
      %cond3A_77 = arith.constant 0 : i32
      %cond3A_78 = arith.cmpi ne, %convert_element_type3A_76, %cond3A_77 : i32
      scf.if %cond3A_78 {
        %add3A_79 = arith.constant 2 : i32
        %add3A_80 = arith.addi %add3A_65, %add3A_79 : i32
        %dma_start3A_81 = arith.constant 0 : i32
        %dma_start3A_82 = tpu.memref_slice %arg8[%add3A_80, %dma_start3A_81] : memref<40x128xi32, #tpu.memory_space<vmem>> -> memref<1x128xi32, #tpu.memory_space<vmem>>
        %dma_start3A_83 = tpu.memref_squeeze %dma_start3A_82 : memref<1x128xi32, #tpu.memory_space<vmem>> -> memref<128xi32, #tpu.memory_space<vmem>>
        %dma_start3A_84 = arith.constant 0 : i32
        %dma_start3A_85 = arith.constant 0 : i32
        %dma_start3A_86 = tpu.memref_slice %arg2[%dma_start3A_84, %dma_start3A_85] : memref<10000x128xf32, #tpu.memory_space<hbm>> -> memref<10000x128xf32, #tpu.memory_space<hbm>>
        tpu.enqueue_indirect_dma source(%dma_start3A_86 : memref<10000x128xf32, #tpu.memory_space<hbm>>) target(%arg11 : memref<128x128xf32, #tpu.memory_space<vmem>>) offsets(%dma_start3A_83 : memref<128xi32, #tpu.memory_space<vmem>>) semaphore(%arg13 : memref<!tpu.dma_semaphore, #tpu.memory_space<semaphore_mem>>)
      } else {
      }
    }
    %scan3A_42 = arith.constant 20 : i32
    %barrier3A_43 = arith.constant 0 : index
    tpu.barrier barrier_id(%barrier3A_43)
    %mul3A_44 = arith.constant 632 : i32
    %mul3A_45 = arith.muli %mul3A_44, %arg1 : i32
    %mul3A_46 = arith.constant 632 : i32
    %mul3A_47 = arith.muli %mul3A_46, %arg1 : i32
    "tpu.region"() ({
      %run_scoped3A = tpu.sem_alloc : memref<!tpu.dma_semaphore, #tpu.memory_space<semaphore_mem>>
      %dma_start3A_48 = arith.constant 0 : i32
      %dma_start3A_49 = tpu.memref_slice %arg6[%arg0, %mul3A_47, %dma_start3A_48] : memref<2x10112x128xf32, #tpu.memory_space<hbm>> -> memref<1x632x128xf32, #tpu.memory_space<hbm>>
      %dma_start3A_50 = tpu.memref_squeeze %dma_start3A_49 : memref<1x632x128xf32, #tpu.memory_space<hbm>> -> memref<632x128xf32, #tpu.memory_space<hbm>>
      %dma_start3A_51 = arith.constant 0 : i32
      %dma_start3A_52 = tpu.memref_slice %arg7[%mul3A_45, %dma_start3A_51] : memref<10112x128xf32, #tpu.memory_space<vmem_shared>> -> memref<632x128xf32, #tpu.memory_space<vmem_shared>>
      tpu.enqueue_dma source(%dma_start3A_52 : memref<632x128xf32, #tpu.memory_space<vmem_shared>>) target(%dma_start3A_50 : memref<632x128xf32, #tpu.memory_space<hbm>>) target_semaphore(%run_scoped3A : memref<!tpu.dma_semaphore, #tpu.memory_space<semaphore_mem>>)
      %dma_wait3A = arith.constant 0 : i32
      %dma_wait3A_53 = tpu.memref_slice %arg6[%arg0, %mul3A_47, %dma_wait3A] : memref<2x10112x128xf32, #tpu.memory_space<hbm>> -> memref<1x632x128xf32, #tpu.memory_space<hbm>>
      %dma_wait3A_54 = tpu.memref_squeeze %dma_wait3A_53 : memref<1x632x128xf32, #tpu.memory_space<hbm>> -> memref<632x128xf32, #tpu.memory_space<hbm>>
      %dma_wait3A_55 = arith.constant 0 : i32
      %dma_wait3A_56 = tpu.memref_slice %arg7[%mul3A_45, %dma_wait3A_55] : memref<10112x128xf32, #tpu.memory_space<vmem_shared>> -> memref<632x128xf32, #tpu.memory_space<vmem_shared>>
      tpu.wait_dma2 semaphore(%run_scoped3A : memref<!tpu.dma_semaphore, #tpu.memory_space<semaphore_mem>>) src(%dma_wait3A_56 : memref<632x128xf32, #tpu.memory_space<vmem_shared>>) dst(%dma_wait3A_54 : memref<632x128xf32, #tpu.memory_space<hbm>>)
      tpu.yield
    }) : () -> ()
    return
  }
}

module attributes {stable_mosaic.version = 14 : i64} {
  func.func @_mm_scale_body(%arg0: i32, %arg1: memref<1000x128xf32, #tpu.memory_space<vmem>>, %arg2: memref<128x128xf32, #tpu.memory_space<vmem>>, %arg3: memref<1000x128xf32, #tpu.memory_space<vmem>>, %arg4: memref<1000x128xf32, #tpu.memory_space<vmem>>) attributes {dimension_semantics = [#tpu.dimension_semantics<arbitrary>], iteration_bounds = array<i64: 10>, scalar_prefetch = 0 : i64, scratch_operands = 0 : i64, tpu.core_type = #tpu.core_type<tc>, window_params = [{transform_indices = @transform_0, window_bounds = array<i64: 1000, 128>}, {pipeline_mode = #tpu.pipeline_mode<synchronous>, transform_indices = @transform_1, window_bounds = array<i64: 128, 128>}, {transform_indices = @transform_2, window_bounds = array<i64: 1000, 128>}, {transform_indices = @transform_3, window_bounds = array<i64: 1000, 128>}]} {
    %get3A = arith.constant 0 : index
    %get3A_0 = arith.constant 0 : index
    %get3A_1 = vector.load %arg1[%get3A, %get3A_0] : memref<1000x128xf32, #tpu.memory_space<vmem>>, vector<1000x128xf32>
    %get3A_2 = arith.constant 0 : index
    %get3A_3 = arith.constant 0 : index
    %get3A_4 = vector.load %arg2[%get3A_2, %get3A_3] : memref<128x128xf32, #tpu.memory_space<vmem>>, vector<128x128xf32>
    %dot_general3A = arith.constant dense<0.000000e+00> : vector<1000x128xf32>
    %dot_general3A_5 = tpu.matmul %get3A_1, %get3A_4, %dot_general3A {dimension_numbers = #tpu.dot_dimension_numbers<[1], [0], [0], [1], [0, 0, 1, 1], [], []>, transpose_lhs_hint = false} : vector<1000x128xf32>, vector<128x128xf32>, vector<1000x128xf32> -> vector<1000x128xf32>
    %get3A_6 = arith.constant 0 : index
    %get3A_7 = arith.constant 0 : index
    %get3A_8 = vector.load %arg3[%get3A_6, %get3A_7] : memref<1000x128xf32, #tpu.memory_space<vmem>>, vector<1000x128xf32>
    %add3A = arith.constant 1.000000e+00 : f32
    %add3A_9 = vector.broadcast %add3A : f32 to vector<1000x128xf32>
    %add3A_10 = arith.addf %get3A_8, %add3A_9 : vector<1000x128xf32>
    %rsqrt3A = math.rsqrt %add3A_10 : vector<1000x128xf32>
    %mul3A = arith.mulf %dot_general3A_5, %rsqrt3A : vector<1000x128xf32>
    %swap3A = arith.constant 0 : index
    %swap3A_11 = arith.constant 0 : index
    %swap3A_12 = vector.load %arg4[%swap3A, %swap3A_11] : memref<1000x128xf32, #tpu.memory_space<vmem>>, vector<1000x128xf32>
    tpu.vector_store %arg4[%swap3A, %swap3A_11], %mul3A {strides = array<i32>} : memref<1000x128xf32, #tpu.memory_space<vmem>>, vector<1000x128xf32>,
    return
  }
  func.func @transform_0(%arg0: i32) -> (i32, i32) {
    %c0_i32 = arith.constant 0 : i32
    %c0_i32_0 = arith.constant 0 : i32
    return %arg0, %c0_i32 : i32, i32
  }
  func.func @transform_1(%arg0: i32) -> (i32, i32) {
    %c0_i32 = arith.constant 0 : i32
    %c0_i32_0 = arith.constant 0 : i32
    %c0_i32_1 = arith.constant 0 : i32
    return %c0_i32, %c0_i32_0 : i32, i32
  }
  func.func @transform_2(%arg0: i32) -> (i32, i32) {
    %c0_i32 = arith.constant 0 : i32
    %c0_i32_0 = arith.constant 0 : i32
    return %arg0, %c0_i32 : i32, i32
  }
  func.func @transform_3(%arg0: i32) -> (i32, i32) {
    %c0_i32 = arith.constant 0 : i32
    %c0_i32_0 = arith.constant 0 : i32
    return %arg0, %c0_i32 : i32, i32
  }
}

module attributes {stable_mosaic.version = 14 : i64} {
  func.func @_mid_body(%arg0: i32, %arg1: memref<2x1000x128xf32, #tpu.memory_space<vmem>>, %arg2: memref<1000x128xf32, #tpu.memory_space<vmem>>, %arg3: memref<1000x128xf32, #tpu.memory_space<vmem>>, %arg4: memref<1x128xf32, #tpu.memory_space<vmem>>, %arg5: memref<128x128xf32, #tpu.memory_space<vmem>>, %arg6: memref<1000x128xf32, #tpu.memory_space<vmem>>) attributes {dimension_semantics = [#tpu.dimension_semantics<arbitrary>], iteration_bounds = array<i64: 10>, scalar_prefetch = 0 : i64, scratch_operands = 0 : i64, tpu.core_type = #tpu.core_type<tc>, window_params = [{transform_indices = @transform_0, window_bounds = array<i64: 2, 1000, 128>}, {transform_indices = @transform_1, window_bounds = array<i64: 1000, 128>}, {transform_indices = @transform_2, window_bounds = array<i64: 1000, 128>}, {pipeline_mode = #tpu.pipeline_mode<synchronous>, transform_indices = @transform_3, window_bounds = array<i64: 1, 128>}, {pipeline_mode = #tpu.pipeline_mode<synchronous>, transform_indices = @transform_4, window_bounds = array<i64: 128, 128>}, {transform_indices = @transform_5, window_bounds = array<i64: 1000, 128>}]} {
    %get3A = arith.constant 0 : index
    %get3A_0 = arith.constant 0 : index
    %get3A_1 = vector.load %arg3[%get3A, %get3A_0] : memref<1000x128xf32, #tpu.memory_space<vmem>>, vector<1000x128xf32>
    %add3A = arith.constant 1.000000e+00 : f32
    %add3A_2 = vector.broadcast %add3A : f32 to vector<1000x128xf32>
    %add3A_3 = arith.addf %get3A_1, %add3A_2 : vector<1000x128xf32>
    %rsqrt3A = math.rsqrt %add3A_3 : vector<1000x128xf32>
    %get3A_4 = arith.constant 0 : index
    %get3A_5 = arith.constant 0 : index
    %get3A_6 = arith.constant 0 : index
    %get3A_7 = vector.load %arg1[%get3A_4, %get3A_5, %get3A_6] : memref<2x1000x128xf32, #tpu.memory_space<vmem>>, vector<1x1000x128xf32>
    %get3A_8 = vector.shape_cast %get3A_7 : vector<1x1000x128xf32> to vector<1000x128xf32>
    %get3A_9 = arith.constant 1 : index
    %get3A_10 = arith.constant 0 : index
    %get3A_11 = arith.constant 0 : index
    %get3A_12 = vector.load %arg1[%get3A_9, %get3A_10, %get3A_11] : memref<2x1000x128xf32, #tpu.memory_space<vmem>>, vector<1x1000x128xf32>
    %get3A_13 = vector.shape_cast %get3A_12 : vector<1x1000x128xf32> to vector<1000x128xf32>
    %add3A_14 = arith.addf %get3A_8, %get3A_13 : vector<1000x128xf32>
    %get3A_15 = arith.constant 0 : index
    %get3A_16 = arith.constant 0 : index
    %get3A_17 = vector.load %arg2[%get3A_15, %get3A_16] : memref<1000x128xf32, #tpu.memory_space<vmem>>, vector<1000x128xf32>
    %add3A_18 = arith.addf %add3A_14, %get3A_17 : vector<1000x128xf32>
    %mul3A = arith.mulf %add3A_18, %rsqrt3A : vector<1000x128xf32>
    %get3A_19 = arith.constant 0 : index
    %get3A_20 = arith.constant 0 : index
    %get3A_21 = vector.load %arg4[%get3A_19, %get3A_20] : memref<1x128xf32, #tpu.memory_space<vmem>>, vector<1x128xf32>
    %add3A_22 = vector.broadcast %get3A_21 : vector<1x128xf32> to vector<1000x128xf32>
    %add3A_23 = arith.addf %mul3A, %add3A_22 : vector<1000x128xf32>
    %max3A = arith.constant 0.000000e+00 : f32
    %max3A_24 = vector.broadcast %max3A : f32 to vector<1000x128xf32>
    %max3A_25 = arith.maximumf %add3A_23, %max3A_24 : vector<1000x128xf32>
    %get3A_26 = arith.constant 0 : index
    %get3A_27 = arith.constant 0 : index
    %get3A_28 = vector.load %arg5[%get3A_26, %get3A_27] : memref<128x128xf32, #tpu.memory_space<vmem>>, vector<128x128xf32>
    %dot_general3A = arith.constant dense<0.000000e+00> : vector<1000x128xf32>
    %dot_general3A_29 = tpu.matmul %max3A_25, %get3A_28, %dot_general3A {dimension_numbers = #tpu.dot_dimension_numbers<[1], [0], [0], [1], [0, 0, 1, 1], [], []>, transpose_lhs_hint = false} : vector<1000x128xf32>, vector<128x128xf32>, vector<1000x128xf32> -> vector<1000x128xf32>
    %mul3A_30 = arith.mulf %dot_general3A_29, %rsqrt3A : vector<1000x128xf32>
    %swap3A = arith.constant 0 : index
    %swap3A_31 = arith.constant 0 : index
    %swap3A_32 = vector.load %arg6[%swap3A, %swap3A_31] : memref<1000x128xf32, #tpu.memory_space<vmem>>, vector<1000x128xf32>
    tpu.vector_store %arg6[%swap3A, %swap3A_31], %mul3A_30 {strides = array<i32>} : memref<1000x128xf32, #tpu.memory_space<vmem>>, vector<1000x128xf32>,
    return
  }
  func.func @transform_0(%arg0: i32) -> (i32, i32, i32) {
    %c0_i32 = arith.constant 0 : i32
    %c0_i32_0 = arith.constant 0 : i32
    %c0_i32_1 = arith.constant 0 : i32
    return %c0_i32, %arg0, %c0_i32_0 : i32, i32, i32
  }
  func.func @transform_1(%arg0: i32) -> (i32, i32) {
    %c0_i32 = arith.constant 0 : i32
    %c0_i32_0 = arith.constant 0 : i32
    return %arg0, %c0_i32 : i32, i32
  }
  func.func @transform_2(%arg0: i32) -> (i32, i32) {
    %c0_i32 = arith.constant 0 : i32
    %c0_i32_0 = arith.constant 0 : i32
    return %arg0, %c0_i32 : i32, i32
  }
  func.func @transform_3(%arg0: i32) -> (i32, i32) {
    %c0_i32 = arith.constant 0 : i32
    %c0_i32_0 = arith.constant 0 : i32
    %c0_i32_1 = arith.constant 0 : i32
    return %c0_i32, %c0_i32_0 : i32, i32
  }
  func.func @transform_4(%arg0: i32) -> (i32, i32) {
    %c0_i32 = arith.constant 0 : i32
    %c0_i32_0 = arith.constant 0 : i32
    %c0_i32_1 = arith.constant 0 : i32
    return %c0_i32, %c0_i32_0 : i32, i32
  }
  func.func @transform_5(%arg0: i32) -> (i32, i32) {
    %c0_i32 = arith.constant 0 : i32
    %c0_i32_0 = arith.constant 0 : i32
    return %arg0, %c0_i32 : i32, i32
  }
}

module attributes {stable_mosaic.version = 14 : i64} {
  func.func @_final_body(%arg0: i32, %arg1: memref<2x1000x128xf32, #tpu.memory_space<vmem>>, %arg2: memref<1000x128xf32, #tpu.memory_space<vmem>>, %arg3: memref<1000x128xf32, #tpu.memory_space<vmem>>, %arg4: memref<1x128xf32, #tpu.memory_space<vmem>>, %arg5: memref<1000x128xf32, #tpu.memory_space<vmem>>) attributes {dimension_semantics = [#tpu.dimension_semantics<arbitrary>], iteration_bounds = array<i64: 10>, scalar_prefetch = 0 : i64, scratch_operands = 0 : i64, tpu.core_type = #tpu.core_type<tc>, window_params = [{transform_indices = @transform_0, window_bounds = array<i64: 2, 1000, 128>}, {transform_indices = @transform_1, window_bounds = array<i64: 1000, 128>}, {transform_indices = @transform_2, window_bounds = array<i64: 1000, 128>}, {pipeline_mode = #tpu.pipeline_mode<synchronous>, transform_indices = @transform_3, window_bounds = array<i64: 1, 128>}, {transform_indices = @transform_4, window_bounds = array<i64: 1000, 128>}]} {
    %get3A = arith.constant 0 : index
    %get3A_0 = arith.constant 0 : index
    %get3A_1 = arith.constant 0 : index
    %get3A_2 = vector.load %arg1[%get3A, %get3A_0, %get3A_1] : memref<2x1000x128xf32, #tpu.memory_space<vmem>>, vector<1x1000x128xf32>
    %get3A_3 = vector.shape_cast %get3A_2 : vector<1x1000x128xf32> to vector<1000x128xf32>
    %get3A_4 = arith.constant 1 : index
    %get3A_5 = arith.constant 0 : index
    %get3A_6 = arith.constant 0 : index
    %get3A_7 = vector.load %arg1[%get3A_4, %get3A_5, %get3A_6] : memref<2x1000x128xf32, #tpu.memory_space<vmem>>, vector<1x1000x128xf32>
    %get3A_8 = vector.shape_cast %get3A_7 : vector<1x1000x128xf32> to vector<1000x128xf32>
    %add3A = arith.addf %get3A_3, %get3A_8 : vector<1000x128xf32>
    %get3A_9 = arith.constant 0 : index
    %get3A_10 = arith.constant 0 : index
    %get3A_11 = vector.load %arg2[%get3A_9, %get3A_10] : memref<1000x128xf32, #tpu.memory_space<vmem>>, vector<1000x128xf32>
    %add3A_12 = arith.addf %add3A, %get3A_11 : vector<1000x128xf32>
    %get3A_13 = arith.constant 0 : index
    %get3A_14 = arith.constant 0 : index
    %get3A_15 = vector.load %arg3[%get3A_13, %get3A_14] : memref<1000x128xf32, #tpu.memory_space<vmem>>, vector<1000x128xf32>
    %add3A_16 = arith.constant 1.000000e+00 : f32
    %add3A_17 = vector.broadcast %add3A_16 : f32 to vector<1000x128xf32>
    %add3A_18 = arith.addf %get3A_15, %add3A_17 : vector<1000x128xf32>
    %rsqrt3A = math.rsqrt %add3A_18 : vector<1000x128xf32>
    %mul3A = arith.mulf %add3A_12, %rsqrt3A : vector<1000x128xf32>
    %get3A_19 = arith.constant 0 : index
    %get3A_20 = arith.constant 0 : index
    %get3A_21 = vector.load %arg4[%get3A_19, %get3A_20] : memref<1x128xf32, #tpu.memory_space<vmem>>, vector<1x128xf32>
    %add3A_22 = vector.broadcast %get3A_21 : vector<1x128xf32> to vector<1000x128xf32>
    %add3A_23 = arith.addf %mul3A, %add3A_22 : vector<1000x128xf32>
    %swap3A = arith.constant 0 : index
    %swap3A_24 = arith.constant 0 : index
    %swap3A_25 = vector.load %arg5[%swap3A, %swap3A_24] : memref<1000x128xf32, #tpu.memory_space<vmem>>, vector<1000x128xf32>
    tpu.vector_store %arg5[%swap3A, %swap3A_24], %add3A_23 {strides = array<i32>} : memref<1000x128xf32, #tpu.memory_space<vmem>>, vector<1000x128xf32>,
    return
  }
  func.func @transform_0(%arg0: i32) -> (i32, i32, i32) {
    %c0_i32 = arith.constant 0 : i32
    %c0_i32_0 = arith.constant 0 : i32
    %c0_i32_1 = arith.constant 0 : i32
    return %c0_i32, %arg0, %c0_i32_0 : i32, i32, i32
  }
  func.func @transform_1(%arg0: i32) -> (i32, i32) {
    %c0_i32 = arith.constant 0 : i32
    %c0_i32_0 = arith.constant 0 : i32
    return %arg0, %c0_i32 : i32, i32
  }
  func.func @transform_2(%arg0: i32) -> (i32, i32) {
    %c0_i32 = arith.constant 0 : i32
    %c0_i32_0 = arith.constant 0 : i32
    return %arg0, %c0_i32 : i32, i32
  }
  func.func @transform_3(%arg0: i32) -> (i32, i32) {
    %c0_i32 = arith.constant 0 : i32
    %c0_i32_0 = arith.constant 0 : i32
    %c0_i32_1 = arith.constant 0 : i32
    return %c0_i32, %c0_i32_0 : i32, i32
  }
  func.func @transform_4(%arg0: i32) -> (i32, i32) {
    %c0_i32 = arith.constant 0 : i32
    %c0_i32_0 = arith.constant 0 : i32
    return %arg0, %c0_i32 : i32, i32
  }
}

</mosaic_0001>

<sc_bundles>
// kernel: kernel.11.cloned.1.call-start
scs
__scs_entry_jumppad:
0x0: {  	(pc) =	sbr.rel $0x88, $3  }
0x1: {  	(tag) =	ssettag $0x0;
	lr =	simm.s32 $0x1  }
0x2: {  	[smem:$0x3F9B] =	sst lr;
	_ =	strace $0xD0000000  }
0x3: {  	_ = 	snop  }
0x4: {  	_ = 	snop  }
0x5: {  	_ = 	snop  }
0x6: {  	_ = 	snop  }
0x7: {  	_ = 	snop  }
__scs_overlays_trampoline_lowered:
0x8: {  	[smem:$0x3FAA] =	sst s0  }
0x9: {  	[smem:$0x3FAB] =	sst s1  }
0xa: {  	[smem:$0x3FAC] =	sst s2  }
0xb: {  	[smem:$0x3FAD] =	sst s3  }
0xc: {  	[smem:$0x3FAE] =	sst s4  }
0xd: {  	[smem:$0x3FAF] =	sst s5  }
0xe: {  	[smem:$0x3FB0] =	sst s6  }
0xf: {  	[smem:$0x3FB1] =	sst s7  }
0x10: {  	[smem:$0x3FB2] =	sst s8  }
0x11: {  	[smem:$0x3FB3] =	sst s9;
	s0 =	simm.s32 @!p0 $0x0  }
0x12: {  	s1 =	sld [smem:$0x3F99];
	s0 =	simm.s32 @p0 $0x1  }
0x13: {  	[smem:$0x3FB4] =	sst s0;
	s0 =	simm.s32 @!p1 $0x0  }
0x14: {  	s2 =	sld [smem:$0x3F98];
	s0 =	simm.s32 @p1 $0x1  }
0x15: {  	[smem:$0x3FB5] =	sst s0;
	s0 =	simm.s32 @!p2 $0x0  }
0x16: {  	s3 =	sld [smem:$0x3FDB];
	s0 =	simm.s32 @p2 $0x1  }
0x17: {  	s4 =	simm.s32 $0x1BF5;
	[smem:$0x3FB7] =	sst s0  }
0x18: {  	s0 =	sld [smem:$0x3F9A];
	_ =	swait.ge [sflag:s4], $0x0  }
0x19: {  	s7 =	sld [smem:$0x3F9B]  }
0x1a: {  	s8 =	sadd.s32 $0xFFFFE003, lr  }
0x1b: {  	s9 =	sadd.s32 $0xFFFFFEF7, lr;
	s5 =	simm.s32 $0xFFFFFFFF;
	p2 =	slt.u32 s8, $0xFFFFF086  }
0x1c: {  	p1 =	slt.u32 s9, $0xF7A;
	s5 =	simm.s32 @!p2 $0x0  }
0x1d: {  	s5 =	simm.s32 @p1 $0x1;
	p0 =	seq.s32 s7, s2  }
0x1e: {  	s7 =	smul.u32 @!p0 $0xF7A, s2;
	p2 =	seq.s32 @!p0 s5, $0x0  }
0x1f: {  	s9 =	smul.u32 $0xF7A, s1;
	s8 =	simm.s32 @!p0 $0x1BF5;
	p2 =	por !p2, p0  }
0x20: {  	[sflag:s8] =	ssyncset.s32 @!p0 $0xFFFFF086;
	s6 =	sadd.s32 @!p0 s3, s7;
	s7 =	simm.s32 @!p0 $0x108  }
0x21: {  	s3 =	sadd.s32 s3, s9;
	s6 =	sadd.s32 @!p0 $0x88, s6;
	s7 =	simm.s32 @p2 $0x1082  }
0x22: {  	[simem:s7], [sflag:s8] =	dma.local @!p0 [hbm:s6], $0xF7A  }
0x23: {  	s9 =	sor.u32 $0xD0000000, s2;
	s6 =	simm.s32 $0x108;
	_ =	swait.ge @!p0 [sflag:s8], $0x0  }
0x24: {  	s3 =	sadd.s32 $0x88, s3;
	s6 =	simm.s32 @!p1 $0x1082;
	[sflag:s4] =	ssyncset.s32 $0xFFFFF086  }
0x25: {  	[simem:s6], [sflag:s4] =	dma.local [hbm:s3], $0xF7A  }
0x26: {  	[smem:$0x3F9B] =	sst s1;
	(tag) =	ssettag s2;
	_ =	strace s9  }
0x27: {  	s1 =	sld [smem:$0x3FAB]  }
0x28: {  	s2 =	sld [smem:$0x3FAC]  }
0x29: {  	s4 =	sld [smem:$0x3FAE]  }
0x2a: {  	p0 =	seq.s32 s5, $0x0;
	s5 =	sld [smem:$0x3FAF]  }
0x2b: {  	s6 =	sld [smem:$0x3FB0]  }
0x2c: {  	s7 =	sld [smem:$0x3FB1]  }
0x2d: {  	s3 =	simm.s32 $0x108;
	s8 =	sld [smem:$0x3FB2]  }
0x2e: {  	s3 =	simm.s32 @!p0 $0x1082;
	s9 =	sld [smem:$0x3FB3]  }
0x2f: {  	lr =	sadd.s32 s0, s3;
	s0 =	sld [smem:$0x3FAA]  }
0x30: {  	s3 =	sld [smem:$0x3FAD]  }
0x31: {  	[smem:$0x3FB6] =	sst s10  }
0x32: {  	s10 =	sld [smem:$0x3FB4];
	_ =	sdelay $0x3  }
0x33: {  	p0 =	seq.s32 s10, $0x1;
	s10 =	sld [smem:$0x3FB6];
	_ =	sdelay $0x3  }
0x34: {  	[smem:$0x3FB6] =	sst s10  }
0x35: {  	s10 =	sld [smem:$0x3FB5];
	_ =	sdelay $0x3  }
0x36: {  	p1 =	seq.s32 s10, $0x1;
	s10 =	sld [smem:$0x3FB6];
	_ =	sdelay $0x3  }
0x37: {  	[smem:$0x3FB6] =	sst s10  }
0x38: {  	s10 =	sld [smem:$0x3FB7]  }
0x39: {  	_ = 	snop;
	(pc) =	sbr.ind lr, $3  }
0x3a: {  	_ = 	snop  }
0x3b: {  	_ = 	snop  }
0x3c: {  	p2 =	seq.s32 s10, $0x1;
	s10 =	sld [smem:$0x3FB6]  }
0x3d: {  	_ =	shalt  }
0x3e: {  	_ =	shalt  }
0x3f: {  	_ =	shalt  }
0x40: {  	_ =	shalt  }
0x41: {  	_ =	shalt  }
0x42: {  	_ =	shalt  }
0x43: {  	_ =	shalt  }
0x44: {  	_ =	shalt  }
0x45: {  	_ =	shalt  }
0x46: {  	_ =	shalt  }
0x47: {  	_ =	shalt  }
0x48: {  	_ =	shalt  }
0x49: {  	_ =	shalt  }
0x4a: {  	_ =	shalt  }
0x4b: {  	_ =	shalt  }
0x4c: {  	_ =	shalt  }
0x4d: {  	_ =	shalt  }
0x4e: {  	_ =	shalt  }
0x4f: {  	_ =	shalt  }
0x50: {  	_ =	shalt  }
0x51: {  	_ =	shalt  }
0x52: {  	_ =	shalt  }
0x53: {  	_ =	shalt  }
0x54: {  	_ =	shalt  }
0x55: {  	_ =	shalt  }
0x56: {  	_ =	shalt  }
0x57: {  	_ =	shalt  }
0x58: {  	_ =	shalt  }
0x59: {  	_ =	shalt  }
0x5a: {  	_ =	shalt  }
0x5b: {  	_ =	shalt  }
0x5c: {  	_ =	shalt  }
0x5d: {  	_ =	shalt  }
0x5e: {  	_ =	shalt  }
0x5f: {  	_ =	shalt  }
0x60: {  	_ =	shalt  }
0x61: {  	_ =	shalt  }
0x62: {  	_ =	shalt  }
0x63: {  	_ =	shalt  }
0x64: {  	_ =	shalt  }
0x65: {  	_ =	shalt  }
0x66: {  	_ =	shalt  }
0x67: {  	_ =	shalt  }
0x68: {  	_ =	shalt  }
0x69: {  	_ =	shalt  }
0x6a: {  	_ =	shalt  }
0x6b: {  	_ =	shalt  }
0x6c: {  	_ =	shalt  }
0x6d: {  	_ =	shalt  }
0x6e: {  	_ =	shalt  }
0x6f: {  	_ =	shalt  }
0x70: {  	_ =	shalt  }
0x71: {  	_ =	shalt  }
0x72: {  	_ =	shalt  }
0x73: {  	_ =	shalt  }
0x74: {  	_ =	shalt  }
0x75: {  	_ =	shalt  }
0x76: {  	_ =	shalt  }
0x77: {  	_ =	shalt  }
0x78: {  	_ =	shalt  }
0x79: {  	_ =	shalt  }
0x7a: {  	_ =	shalt  }
0x7b: {  	_ =	shalt  }
0x7c: {  	_ =	shalt  }
0x7d: {  	_ =	shalt  }
0x7e: {  	_ =	shalt  }
0x7f: {  	_ =	shalt  }
0x80: {  	_ =	shalt  }
0x81: {  	_ =	shalt  }
0x82: {  	_ =	shalt  }
0x83: {  	_ =	shalt  }
0x84: {  	_ =	shalt  }
0x85: {  	_ =	shalt  }
0x86: {  	_ =	shalt  }
0x87: {  	_ =	shalt  }
.Lfunc_end0:
.L_simem_size_0:
called_computation.1_lowered:
.L_overlay_start_0:
0x88: {  	s2 =	sld [smem:$0x3FD9]  }
0x89: {  	s3 =	sld [smem:$0x3FFE];
	_ =	sdelay $0x1  }
0x8a: {  	s1 =	srdreg.scid  }
0x8b: {  	s0 =	sand.u32 $0x1, s1  }
0x8c: {  	s17 =	sshll.u32 s0, $0xA;
	s2 =	sadd.s32 s3, s2  }
0x8d: {  	s2 =	sadd.s32 s2, s17  }
0x8e: {  	[smem:$0x3FC2] =	sst s2  }
0x8f: {  	_ = 	snop  }
0x90: {  	s2 =	sld [smem:$0x3FD0];
	(tm) =	ssettm $0x1  }
0x91: {  	s18 =	sld [smem:$0x3FFB];
	_ =	sdelay $0x3  }
0x92: {  	_ =	strace s18  }
0x93: {  	s3 =	sld [smem:$0x3FFC];
	_ =	sdelay $0x3  }
0x94: {  	_ =	strace s3  }
0x95: {  	s3 =	sld [smem:$0x3FFD];
	_ =	sdelay $0x3  }
0x96: {  	_ =	strace s3  }
0x97: {  	_ =	strace $0x8FFFFFFF  }
0x98: {  	s19 =	sld [smem:$0x3FDB];
	_ =	sdelay $0x1  }
0x99: {  	s4 =	simm.s32 $_scs_section_size  }
0x9a: {  	s5 =	simm.s32 $_size__tile_overlayer_lowered;
	s6 =	simm.s32 $_tile_overlayer_lowered  }
0x9b: {  	s22 =	simm.s32 $0x1BFF;
	s21 =	sshll.u32 s6, $0x1;
	s3 =	sadd.s32 s4, s19  }
0x9c: {  	s7 =	simm.s32 $0x0;
	s20 =	sshll.u32 s5, $0x1;
	s5 =	sadd.s32 s21, s3  }
0x9d: {  	[timem:s7], [sflag:s22] =	dma.local [hbm:s5], s20  }
0x9e: {  	_ =	swait.ge [sflag:s22], s20  }
0x9f: {  	s4 =	ssub.s32 $0x0, s20;
	[sflag:s22] =	ssyncset.done $0x0  }
0xa0: {  	[sflag:s22] =	ssyncadd.s32 s4;
	_ =	sdelay $0x1  }
0xa1: {  	s23 =	simm.s32 $0x1B8B  }
0xa2: {  	_ =	swait.ge [sflag:s23], $0x1  }
0xa3: {  	[sflag:s23] =	ssyncset.done $0x0  }
0xa4: {  	s25 =	simm.s32 $0x1B8E;
	s24 =	sld [smem:$0x3FFE];
	[sflag:s23] =	ssyncadd.s32 $0xFFFFFFFF  }
0xa5: {  	s26 =	simm.s32 $execute0_lowered;
	[smem:$0x3FD2] =	sst s25  }
0xa6: {  	s5 =	sshll.u32 s26, $0x1;
	_ =	strace $0x80000049;
	[dreg:$0x1] =	wrdreg $0xFFFFFFFF  }
0xa7: {  	s28 =	simm.s32 $_size_execute0_lowered;
	s3 =	sadd.s32 s3, s5;
	[dreg:$0x0] =	wrdreg $0x0  }
0xa8: {  	s5 =	sshll.u32 s28, $0x1;
	[dreg:$0x2] =	wrdreg s3  }
0xa9: {  	[dreg:$0x3] =	wrdreg s5  }
0xaa: {  	[dreg:$0x4] =	wrdreg $0xC0  }
0xab: {  	_ =	task [dreg:s7], $0x5FFFF  }
0xac: {  	[dreg:$0x1] =	wrdreg $0xFFFFFFFF  }
0xad: {  	[dreg:$0x0] =	wrdreg $0x60  }
0xae: {  	[dreg:$0x2] =	wrdreg s2  }
0xaf: {  	[dreg:$0x3] =	wrdreg s24  }
0xb0: {  	[dreg:$0x4] =	wrdreg $0x0  }
0xb1: {  	[dreg:$0x5] =	wrdreg $0x9  }
0xb2: {  	_ =	task.clear_ibuf [dreg:s7], $0x6FFFF;
	_ =	strace $0x90000049  }
0xb3: {  	s29 =	simm.s32 $0x9;
	_ =	strace $0x8000004B  }
0xb4: {  	_ =	swait.ge [sflag:s29], $0x1  }
0xb5: {  	[sflag:s29] =	ssyncadd.s32 $0xFFFFFFFF  }
0xb6: {  	_ =	strace $0x9000004B  }
0xb7: {  	_ =	sfence  }
0xb8: {  	s30 =	sld [smem:$0x0];
	_ =	sdelay $0x2  }
0xb9: {  	s31 =	sshll.u32 s1, $0xD;
	s1 =	sshrl.u32 s1, $0x2  }
0xba: {  	s3 =	sand.u32 $0x4000, s31;
	s1 =	sadd.s32 s1, s30  }
0xbb: {  	s0 =	sor.u32 s3, s0;
	s1 =	sshll.u32 s1, $0x11  }
0xbc: {  	s0 =	sor.u32 s1, s0  }
0xbd: {  	s0 =	sadd.s32 $0x8F2B, s0  }
0xbe: {  	[sflag:s0] =	ssyncadd.remote.s32 $0x1  }
0xbf: {  	_ =	sfence.sel $0xFFFF  }
0xc0: {  	[dreg:$0x0] =	wrdreg $0xFFFFFFFF;
	(pc) =	sbr.abs _section_cstart, $3  }
0xc1: {  	[dreg:$0x1] =	wrdreg $0xFFFFFFFF  }
0xc2: {  	_ =	task.clear_ibuf [dreg:s7], $0x2FFFF;
	_ =	strace $0x9FFFFFFF  }
0xc3: {  	(tm) =	ssettm $0x7FFFFFFF  }
tec
execute0_lowered:
.L_overlay_start_1:
0x0: {  	(tag) =	ssettag $0x1  }
0x1: {  	s2 =	rddreg [dreg:$0x0]  }
0x2: {  	s5 =	rddreg [dreg:$0x1]  }
0x3: {  	s3 =	rddreg [dreg:$0x2]  }
0x4: {  	s0 =	rddreg [dreg:$0x3]  }
0x5: {  	s1 =	stileid.u32;
	s4 =	simm.s32 $0x0;
	s7 =	srdreg.scid  }
0x6: {  	s16 =	simm.s32 $0x15000;
	s17 =	simm.s32 $0x80;
	s18 =	simm.s32 $0x16400  }
0x7: {  	s19 =	simm.s32 $0x13C80;
	s20 =	simm.s32 $0x1A400;
	s21 =	simm.s32 $0x1  }
0x8: {  	s22 =	simm.s32 $0x2;
	s23 =	simm.s32 $0x16300;
	s24 =	simm.s32 $0x16380  }
0x9: {  	s25 =	simm.s32 $0x0;
	s6 =	smul.u32 $0x13C00, s1;
	[smem:$0x7FF] =	sst s4  }
0xa: {  	s7 =	sand.u32 $0x1, s7;
	s10 =	sadd.s32 $0xC000, s5;
	s11 =	sadd.s32 $0x2000, s5  }
0xb: {  	s29 =	smul.u32 $0x4F000, s1;
	s30 =	sshll.u32 s1, $0x6;
	_ =	strace $0x8000004A  }
0xc: {  	s9 =	smul.u32 $0x13C000, s7;
	s12 =	sshll.u32 s7, $0x4;
	s7 =	ssub.s32 $0x2, s7  }
0xd: {  	s8 =	sshrl.u32 s6, $0x3;
	s12 =	sor.u32 s1, s12;
	s13 =	sshrl.u32 s7, $0x1  }
0xe: {  	s8 =	sadd.s32 s8, s5;
	s6 =	sadd.s32 s6, s9;
	s12 =	smul.u32 $0x2800, s12  }
0xf: {  	s9 =	sshrl.u32 s29, $0x2;
	s13 =	ssub.s32 s7, s13;
	s6 =	sshrl.u32 s6, $0x3  }
0x10: {  	s15 =	sadd.s32 s9, s3;
	s14 =	sadd.s32 s6, s5;
	s31 =	sshrl.u32 s12, $0x3  }
0x11: {  	s5 =	sadd.s32 $0x16000, s8;
	s6 =	sor.u32 $0x1C03, s30;
	s12 =	sadd.s32 $0x280, s31  }
0x12: {  	s7 =	sadd.s32 s10, s31;
	s8 =	sadd.s32 s11, s31;
	s9 =	sadd.s32 s10, s12  }
0x13: {  	s10 =	sadd.s32 s11, s12;
	s11 =	sadd.s32 $0x3D800, s14;
	s12 =	smax.u32 s13, $0x1  }
0x14: {  	s13 =	sshrl.u32 s15, $0x3;
	s14 =	simm.s32 $0x3;
	s15 =	simm.s32 $0x13C00  }
.LBB2_1:
0x15: {  	[spmem:s13], [sflag:s6] =	dma.local [hbm:s5], $0x2780  }
0x16: {  	_ =	swait.ge [sflag:s14], $0x2780  }
0x17: {  	[sflag:s14] =	ssyncset.done $0x0  }
0x18: {  	[sflag:s14] =	ssyncadd.s32 $0xFFFFD880  }
0x19: {  	[bflag:$0x0] =	sbarrier.arrive $0xFFFF  }
0x1a: {  	[tilespmem:s15], [sflag:$0x3] =	stream.linear.gather [hbm4b:s7+s4], $0x1400, $0x38;
	[tilespmem:$0x1E400] =	vst v63  }
0x1b: {  	_ =	swait.ge [sflag:s14], $0x1400  }
0x1c: {  	[sflag:s14] =	ssyncset.done $0x0  }
0x1d: {  	[sflag:s14] =	ssyncadd.s32 $0xFFFFEC00  }
0x1e: {  	[tilespmem:s16], [sflag:$0x3] =	stream.linear.gather [hbm4b:s8+s4], $0x1400, $0x38;
	[tilespmem:$0x1E400] =	vst v63  }
0x1f: {  	_ =	swait.ge [sflag:s14], $0x1400  }
0x20: {  	[sflag:s14] =	ssyncset.done $0x0  }
0x21: {  	[sflag:s14] =	ssyncadd.s32 $0xFFFFEC00  }
0x22: {  	[tilespmem:s18], [sflag:$0x1] =	stream.indirect.gather [hbm4b:s2+s17], $0x80, s15, s17, $0xb8;
	[tilespmem:$0x1E400] =	vst v63  }
0x23: {  	_ = 	snop  }
0x24: {  	[tilespmem:s20], [sflag:$0x2] =	stream.indirect.gather [hbm4b:s2+s17], $0x80, s19, s17, $0xb8;
	[tilespmem:$0x1E400] =	vst v63  }
0x25: {  	_ =	swait.ge [sflag:s21], $0x4000  }
0x26: {  	[sflag:s21] =	ssyncset.done $0x0  }
0x27: {  	s26 =	simm.s32 $0x15000;
	[sflag:s21] =	ssyncadd.s32 $0xFFFFC000  }
0x28: {  	[spmem:s3] =	stream.indirect.scatter.add.f32 [tilespmem:s18], [sflag:$0x3], $0x80, s26, s17, $0xb8;
	[tilespmem:$0x1E400] =	vst v63  }
0x29: {  	_ =	swait.ge [sflag:s14], $0x4000  }
0x2a: {  	[sflag:s14] =	ssyncset.done $0x0  }
0x2b: {  	s30 =	simm.s32 $0x13D00;
	[sflag:s14] =	ssyncadd.s32 $0xFFFFC000  }
0x2c: {  	[tilespmem:s18], [sflag:$0x1] =	stream.indirect.gather [hbm4b:s2+s17], $0x80, s30, s17, $0xb8;
	[tilespmem:$0x1E400] =	vst v63  }
0x2d: {  	_ =	swait.ge [sflag:s22], $0x4000  }
0x2e: {  	[sflag:s22] =	ssyncset.done $0x0  }
0x2f: {  	s31 =	simm.s32 $0x15080;
	[sflag:s22] =	ssyncadd.s32 $0xFFFFC000  }
0x30: {  	[spmem:s3] =	stream.indirect.scatter.add.f32 [tilespmem:s20], [sflag:$0x3], $0x80, s31, s17, $0xb8;
	[tilespmem:$0x1E400] =	vst v63  }
0x31: {  	_ =	swait.ge [sflag:s14], $0x4000  }
0x32: {  	[sflag:s14] =	ssyncset.done $0x0  }
0x33: {  	s28 =	simm.s32 $0x13D80;
	s26 =	simm.s32 $0x400;
	[sflag:s14] =	ssyncadd.s32 $0xFFFFC000  }
.LBB2_2:
0x34: {  	[tilespmem:s20], [sflag:$0x2] =	stream.indirect.gather [hbm4b:s2+s17], $0x80, s28, s17, $0xb8;
	[tilespmem:$0x1E400] =	vst v63  }
0x35: {  	s28 =	smov.u32 s26  }
0x36: {  	p0 =	sne.s32 s26, $0x4800;
	s26 =	sadd.s32 $0x400, s26;
	_ =	swait.ge [sflag:s21], $0x4000  }
0x37: {  	s28 =	sshra.s32 s28, $0x2;
	[sflag:s21] =	ssyncset.done $0x0  }
0x38: {  	s29 =	sadd.s32 $0x15000, s28;
	[sflag:s21] =	ssyncadd.s32 $0xFFFFC000  }
0x39: {  	[spmem:s3] =	stream.indirect.scatter.add.f32 [tilespmem:s18], [sflag:$0x3], $0x80, s29, s17, $0xb8;
	[tilespmem:$0x1E400] =	vst v63  }
0x3a: {  	_ =	swait.ge [sflag:s14], $0x4000  }
0x3b: {  	[sflag:s14] =	ssyncset.done $0x0  }
0x3c: {  	s29 =	sadd.s32 $0x13D00, s28;
	[sflag:s14] =	ssyncadd.s32 $0xFFFFC000  }
0x3d: {  	[tilespmem:s18], [sflag:$0x1] =	stream.indirect.gather [hbm4b:s2+s17], $0x80, s29, s17, $0xb8;
	[tilespmem:$0x1E400] =	vst v63  }
0x3e: {  	_ =	swait.ge [sflag:s22], $0x4000  }
0x3f: {  	[sflag:s22] =	ssyncset.done $0x0  }
.Ltmp0:
0x40: {  	s29 =	sadd.s32 $0x15080, s28;
	[sflag:s22] =	ssyncadd.s32 $0xFFFFC000;
	(pc) =	sbr.rel @p0 .LBB2_2-.Ltmp0, $4  }
0x41: {  	[spmem:s3] =	stream.indirect.scatter.add.f32 [tilespmem:s20], [sflag:$0x3], $0x80, s29, s17, $0xb8;
	[tilespmem:$0x1E400] =	vst v63  }
0x42: {  	_ =	swait.ge [sflag:s14], $0x4000  }
0x43: {  	[sflag:s14] =	ssyncset.done $0x0  }
0x44: {  	s28 =	sadd.s32 $0x13D80, s28;
	[sflag:s14] =	ssyncadd.s32 $0xFFFFC000  }
0x45: {  	[tilespmem:s20], [sflag:$0x2] =	stream.indirect.gather [hbm4b:s2+s17], $0x80, s28, s17, $0xb8;
	[tilespmem:$0x1E400] =	vst v63  }
0x46: {  	_ =	swait.ge [sflag:s21], $0x4000  }
0x47: {  	[sflag:s21] =	ssyncset.done $0x0  }
0x48: {  	[sflag:s21] =	ssyncadd.s32 $0xFFFFC000  }
0x49: {  	[spmem:s3] =	stream.indirect.scatter.add.f32 [tilespmem:s18], [sflag:$0x3], $0x80, s23, s17, $0xb8;
	[tilespmem:$0x1E400] =	vst v63  }
0x4a: {  	_ =	swait.ge [sflag:s14], $0x4000  }
0x4b: {  	[sflag:s14] =	ssyncset.done $0x0  }
0x4c: {  	[sflag:s14] =	ssyncadd.s32 $0xFFFFC000  }
0x4d: {  	_ =	swait.ge [sflag:s22], $0x4000  }
0x4e: {  	[sflag:s22] =	ssyncset.done $0x0  }
0x4f: {  	[sflag:s22] =	ssyncadd.s32 $0xFFFFC000  }
0x50: {  	[spmem:s3] =	stream.indirect.scatter.add.f32 [tilespmem:s20], [sflag:$0x3], $0x80, s24, s17, $0xb8;
	[tilespmem:$0x1E400] =	vst v63  }
0x51: {  	_ =	swait.ge [sflag:s14], $0x4000  }
0x52: {  	[sflag:s14] =	ssyncset.done $0x0  }
0x53: {  	s26 =	simm.s32 $0x0;
	[sflag:s14] =	ssyncadd.s32 $0xFFFFC000  }
0x54: {  	[tilespmem:s15], [sflag:$0x3] =	stream.linear.gather [hbm4b:s9+s26], $0x1400, $0x38;
	[tilespmem:$0x1E400] =	vst v63  }
0x55: {  	_ =	swait.ge [sflag:s14], $0x1400  }
0x56: {  	[sflag:s14] =	ssyncset.done $0x0  }
0x57: {  	[sflag:s14] =	ssyncadd.s32 $0xFFFFEC00  }
0x58: {  	[tilespmem:s16], [sflag:$0x3] =	stream.linear.gather [hbm4b:s10+s26], $0x1400, $0x38;
	[tilespmem:$0x1E400] =	vst v63  }
0x59: {  	_ =	swait.ge [sflag:s14], $0x1400  }
0x5a: {  	[sflag:s14] =	ssyncset.done $0x0  }
0x5b: {  	[sflag:s14] =	ssyncadd.s32 $0xFFFFEC00  }
0x5c: {  	[tilespmem:s18], [sflag:$0x1] =	stream.indirect.gather [hbm4b:s2+s17], $0x80, s15, s17, $0xb8;
	[tilespmem:$0x1E400] =	vst v63  }
0x5d: {  	_ = 	snop  }
0x5e: {  	[tilespmem:s20], [sflag:$0x2] =	stream.indirect.gather [hbm4b:s2+s17], $0x80, s19, s17, $0xb8;
	[tilespmem:$0x1E400] =	vst v63  }
0x5f: {  	_ =	swait.ge [sflag:s21], $0x4000  }
0x60: {  	[sflag:s21] =	ssyncset.done $0x0  }
0x61: {  	s29 =	simm.s32 $0x15000;
	[sflag:s21] =	ssyncadd.s32 $0xFFFFC000  }
0x62: {  	[spmem:s3] =	stream.indirect.scatter.add.f32 [tilespmem:s18], [sflag:$0x3], $0x80, s29, s17, $0xb8;
	[tilespmem:$0x1E400] =	vst v63  }
0x63: {  	_ =	swait.ge [sflag:s14], $0x4000  }
0x64: {  	[sflag:s14] =	ssyncset.done $0x0  }
0x65: {  	s30 =	simm.s32 $0x13D00;
	[sflag:s14] =	ssyncadd.s32 $0xFFFFC000  }
0x66: {  	[tilespmem:s18], [sflag:$0x1] =	stream.indirect.gather [hbm4b:s2+s17], $0x80, s30, s17, $0xb8;
	[tilespmem:$0x1E400] =	vst v63  }
0x67: {  	_ =	swait.ge [sflag:s22], $0x4000  }
0x68: {  	[sflag:s22] =	ssyncset.done $0x0  }
0x69: {  	s31 =	simm.s32 $0x15080;
	[sflag:s22] =	ssyncadd.s32 $0xFFFFC000  }
0x6a: {  	[spmem:s3] =	stream.indirect.scatter.add.f32 [tilespmem:s20], [sflag:$0x3], $0x80, s31, s17, $0xb8;
	[tilespmem:$0x1E400] =	vst v63  }
0x6b: {  	_ =	swait.ge [sflag:s14], $0x4000  }
0x6c: {  	[sflag:s14] =	ssyncset.done $0x0  }
0x6d: {  	s28 =	simm.s32 $0x13D80;
	s26 =	simm.s32 $0x400;
	[sflag:s14] =	ssyncadd.s32 $0xFFFFC000  }
.LBB2_4:
0x6e: {  	[tilespmem:s20], [sflag:$0x2] =	stream.indirect.gather [hbm4b:s2+s17], $0x80, s28, s17, $0xb8;
	[tilespmem:$0x1E400] =	vst v63  }
0x6f: {  	s28 =	smov.u32 s26  }
0x70: {  	p0 =	sne.s32 s26, $0x4800;
	s26 =	sadd.s32 $0x400, s26;
	_ =	swait.ge [sflag:s21], $0x4000  }
0x71: {  	s28 =	sshra.s32 s28, $0x2;
	[sflag:s21] =	ssyncset.done $0x0  }
0x72: {  	s29 =	sadd.s32 $0x15000, s28;
	[sflag:s21] =	ssyncadd.s32 $0xFFFFC000  }
0x73: {  	[spmem:s3] =	stream.indirect.scatter.add.f32 [tilespmem:s18], [sflag:$0x3], $0x80, s29, s17, $0xb8;
	[tilespmem:$0x1E400] =	vst v63  }
0x74: {  	_ =	swait.ge [sflag:s14], $0x4000  }
0x75: {  	[sflag:s14] =	ssyncset.done $0x0  }
0x76: {  	s29 =	sadd.s32 $0x13D00, s28;
	[sflag:s14] =	ssyncadd.s32 $0xFFFFC000  }
0x77: {  	[tilespmem:s18], [sflag:$0x1] =	stream.indirect.gather [hbm4b:s2+s17], $0x80, s29, s17, $0xb8;
	[tilespmem:$0x1E400] =	vst v63  }
0x78: {  	_ =	swait.ge [sflag:s22], $0x4000  }
0x79: {  	[sflag:s22] =	ssyncset.done $0x0  }
.Ltmp1:
0x7a: {  	s29 =	sadd.s32 $0x15080, s28;
	[sflag:s22] =	ssyncadd.s32 $0xFFFFC000;
	(pc) =	sbr.rel @p0 .LBB2_4-.Ltmp1, $4  }
0x7b: {  	[spmem:s3] =	stream.indirect.scatter.add.f32 [tilespmem:s20], [sflag:$0x3], $0x80, s29, s17, $0xb8;
	[tilespmem:$0x1E400] =	vst v63  }
0x7c: {  	_ =	swait.ge [sflag:s14], $0x4000  }
0x7d: {  	[sflag:s14] =	ssyncset.done $0x0  }
0x7e: {  	s28 =	sadd.s32 $0x13D80, s28;
	[sflag:s14] =	ssyncadd.s32 $0xFFFFC000  }
0x7f: {  	[tilespmem:s20], [sflag:$0x2] =	stream.indirect.gather [hbm4b:s2+s17], $0x80, s28, s17, $0xb8;
	[tilespmem:$0x1E400] =	vst v63  }
0x80: {  	_ =	swait.ge [sflag:s21], $0x4000  }
0x81: {  	[sflag:s21] =	ssyncset.done $0x0  }
0x82: {  	[sflag:s21] =	ssyncadd.s32 $0xFFFFC000  }
0x83: {  	[spmem:s3] =	stream.indirect.scatter.add.f32 [tilespmem:s18], [sflag:$0x3], $0x80, s23, s17, $0xb8;
	[tilespmem:$0x1E400] =	vst v63  }
0x84: {  	_ =	swait.ge [sflag:s14], $0x4000  }
0x85: {  	[sflag:s14] =	ssyncset.done $0x0  }
0x86: {  	[sflag:s14] =	ssyncadd.s32 $0xFFFFC000  }
0x87: {  	_ =	swait.ge [sflag:s22], $0x4000  }
0x88: {  	[sflag:s22] =	ssyncset.done $0x0  }
0x89: {  	[sflag:s22] =	ssyncadd.s32 $0xFFFFC000  }
0x8a: {  	[spmem:s3] =	stream.indirect.scatter.add.f32 [tilespmem:s20], [sflag:$0x3], $0x80, s24, s17, $0xb8;
	[tilespmem:$0x1E400] =	vst v63  }
0x8b: {  	_ =	swait.ge [sflag:s14], $0x4000  }
0x8c: {  	s25 =	sadd.s32 $0x1, s25;
	[sflag:s14] =	ssyncset.done $0x0  }
0x8d: {  	p0 =	sne.s32 s25, s12;
	[sflag:s14] =	ssyncadd.s32 $0xFFFFC000  }
.Ltmp2:
0x8e: {  	[bflag:$0x0] =	sbarrier.arrive $0xFFFF;
	(pc) =	sbr.rel @p0 .LBB2_1-.Ltmp2, $4  }
0x8f: {  	[hbm:s11], [sflag:s6] =	dma.local [spmem:s13], $0x2780  }
0x90: {  	_ =	swait.ge [sflag:s14], $0x2780  }
0x91: {  	[sflag:s14] =	ssyncset.done $0x0  }
0x92: {  	[sflag:s14] =	ssyncadd.s32 $0xFFFFD880  }
0x93: {  	_ =	sfence.sel $0x180000  }
0x94: {  	[bflag:$0x0] =	sbarrier.arrive $0xFFFF  }
0x95: {  	p0 =	sne.s32 s1, $0x0;
	_ =	strace $0x9000004A  }
0x96: {  	s0 =	sadd.s32 @!p0 $0x100000, s0;
	[bflag:$0x2] =	sbarrier.arrive $0xFFFF  }
0x97: {  	[sflag:s0] =	ssyncadd.tile.s32 @!p0 $0x1;
	_ =	shalt  }
.Lfunc_end2:
_tile_overlayer_lowered:
.L_overlay_start_2:
0x98: {  	(tag) =	ssettag $0x2  }
0x99: {  	s0 =	rddreg [dreg:$0x0];
	s2 =	stileid.u32  }
0x9a: {  	s1 =	rddreg [dreg:$0x1];
	p0 =	sne.s32 s2, $0x0  }
0x9b: {  	s3 =	rddreg [dreg:$0x2];
	[bflag:$0x3] =	sbarrier.arrive $0xFFFF;
	s2 =	simm.s32 @!p0 $0x1C03  }
0x9c: {  	[timem:s3], [sflag:s2] =	dma.local @!p0 [hbm:s0], s1  }
0x9d: {  	s0 =	simm.s32 @!p0 $0x3  }
0x9e: {  	_ =	swait.ge @!p0 [sflag:s0], s1  }
0x9f: {  	s1 =	ssub.s32 @!p0 $0x0, s1;
	[sflag:s0] =	ssyncset.done @!p0 $0x0  }
0xa0: {  	[sflag:s0] =	ssyncadd.s32 @!p0 s1  }
0xa1: {  	[bflag:$0x3] =	sbarrier.arrive $0xFFFF  }
0xa2: {  	_ =	shalt  }

// kernel: kernel.14.cloned.1.call-start
scs
__scs_entry_jumppad:
0x0: {  	(pc) =	sbr.rel $0x88, $3  }
0x1: {  	(tag) =	ssettag $0x0;
	lr =	simm.s32 $0x1  }
0x2: {  	[smem:$0x3F9B] =	sst lr;
	_ =	strace $0xD0000000  }
0x3: {  	_ = 	snop  }
0x4: {  	_ = 	snop  }
0x5: {  	_ = 	snop  }
0x6: {  	_ = 	snop  }
0x7: {  	_ = 	snop  }
__scs_overlays_trampoline_lowered:
0x8: {  	[smem:$0x3FAA] =	sst s0  }
0x9: {  	[smem:$0x3FAB] =	sst s1  }
0xa: {  	[smem:$0x3FAC] =	sst s2  }
0xb: {  	[smem:$0x3FAD] =	sst s3  }
0xc: {  	[smem:$0x3FAE] =	sst s4  }
0xd: {  	[smem:$0x3FAF] =	sst s5  }
0xe: {  	[smem:$0x3FB0] =	sst s6  }
0xf: {  	[smem:$0x3FB1] =	sst s7  }
0x10: {  	[smem:$0x3FB2] =	sst s8  }
0x11: {  	[smem:$0x3FB3] =	sst s9;
	s0 =	simm.s32 @!p0 $0x0  }
0x12: {  	s1 =	sld [smem:$0x3F99];
	s0 =	simm.s32 @p0 $0x1  }
0x13: {  	[smem:$0x3FB4] =	sst s0;
	s0 =	simm.s32 @!p1 $0x0  }
0x14: {  	s2 =	sld [smem:$0x3F98];
	s0 =	simm.s32 @p1 $0x1  }
0x15: {  	[smem:$0x3FB5] =	sst s0;
	s0 =	simm.s32 @!p2 $0x0  }
0x16: {  	s3 =	sld [smem:$0x3FDB];
	s0 =	simm.s32 @p2 $0x1  }
0x17: {  	s4 =	simm.s32 $0x1BF5;
	[smem:$0x3FB7] =	sst s0  }
0x18: {  	s0 =	sld [smem:$0x3F9A];
	_ =	swait.ge [sflag:s4], $0x0  }
0x19: {  	s7 =	sld [smem:$0x3F9B]  }
0x1a: {  	s8 =	sadd.s32 $0xFFFFE003, lr  }
0x1b: {  	s9 =	sadd.s32 $0xFFFFFEF7, lr;
	s5 =	simm.s32 $0xFFFFFFFF;
	p2 =	slt.u32 s8, $0xFFFFF086  }
0x1c: {  	p1 =	slt.u32 s9, $0xF7A;
	s5 =	simm.s32 @!p2 $0x0  }
0x1d: {  	s5 =	simm.s32 @p1 $0x1;
	p0 =	seq.s32 s7, s2  }
0x1e: {  	s7 =	smul.u32 @!p0 $0xF7A, s2;
	p2 =	seq.s32 @!p0 s5, $0x0  }
0x1f: {  	s9 =	smul.u32 $0xF7A, s1;
	s8 =	simm.s32 @!p0 $0x1BF5;
	p2 =	por !p2, p0  }
0x20: {  	[sflag:s8] =	ssyncset.s32 @!p0 $0xFFFFF086;
	s6 =	sadd.s32 @!p0 s3, s7;
	s7 =	simm.s32 @!p0 $0x108  }
0x21: {  	s3 =	sadd.s32 s3, s9;
	s6 =	sadd.s32 @!p0 $0x88, s6;
	s7 =	simm.s32 @p2 $0x1082  }
0x22: {  	[simem:s7], [sflag:s8] =	dma.local @!p0 [hbm:s6], $0xF7A  }
0x23: {  	s9 =	sor.u32 $0xD0000000, s2;
	s6 =	simm.s32 $0x108;
	_ =	swait.ge @!p0 [sflag:s8], $0x0  }
0x24: {  	s3 =	sadd.s32 $0x88, s3;
	s6 =	simm.s32 @!p1 $0x1082;
	[sflag:s4] =	ssyncset.s32 $0xFFFFF086  }
0x25: {  	[simem:s6], [sflag:s4] =	dma.local [hbm:s3], $0xF7A  }
0x26: {  	[smem:$0x3F9B] =	sst s1;
	(tag) =	ssettag s2;
	_ =	strace s9  }
0x27: {  	s1 =	sld [smem:$0x3FAB]  }
0x28: {  	s2 =	sld [smem:$0x3FAC]  }
0x29: {  	s4 =	sld [smem:$0x3FAE]  }
0x2a: {  	p0 =	seq.s32 s5, $0x0;
	s5 =	sld [smem:$0x3FAF]  }
0x2b: {  	s6 =	sld [smem:$0x3FB0]  }
0x2c: {  	s7 =	sld [smem:$0x3FB1]  }
0x2d: {  	s3 =	simm.s32 $0x108;
	s8 =	sld [smem:$0x3FB2]  }
0x2e: {  	s3 =	simm.s32 @!p0 $0x1082;
	s9 =	sld [smem:$0x3FB3]  }
0x2f: {  	lr =	sadd.s32 s0, s3;
	s0 =	sld [smem:$0x3FAA]  }
0x30: {  	s3 =	sld [smem:$0x3FAD]  }
0x31: {  	[smem:$0x3FB6] =	sst s10  }
0x32: {  	s10 =	sld [smem:$0x3FB4];
	_ =	sdelay $0x3  }
0x33: {  	p0 =	seq.s32 s10, $0x1;
	s10 =	sld [smem:$0x3FB6];
	_ =	sdelay $0x3  }
0x34: {  	[smem:$0x3FB6] =	sst s10  }
0x35: {  	s10 =	sld [smem:$0x3FB5];
	_ =	sdelay $0x3  }
0x36: {  	p1 =	seq.s32 s10, $0x1;
	s10 =	sld [smem:$0x3FB6];
	_ =	sdelay $0x3  }
0x37: {  	[smem:$0x3FB6] =	sst s10  }
0x38: {  	s10 =	sld [smem:$0x3FB7]  }
0x39: {  	_ = 	snop;
	(pc) =	sbr.ind lr, $3  }
0x3a: {  	_ = 	snop  }
0x3b: {  	_ = 	snop  }
0x3c: {  	p2 =	seq.s32 s10, $0x1;
	s10 =	sld [smem:$0x3FB6]  }
0x3d: {  	_ =	shalt  }
0x3e: {  	_ =	shalt  }
0x3f: {  	_ =	shalt  }
0x40: {  	_ =	shalt  }
0x41: {  	_ =	shalt  }
0x42: {  	_ =	shalt  }
0x43: {  	_ =	shalt  }
0x44: {  	_ =	shalt  }
0x45: {  	_ =	shalt  }
0x46: {  	_ =	shalt  }
0x47: {  	_ =	shalt  }
0x48: {  	_ =	shalt  }
0x49: {  	_ =	shalt  }
0x4a: {  	_ =	shalt  }
0x4b: {  	_ =	shalt  }
0x4c: {  	_ =	shalt  }
0x4d: {  	_ =	shalt  }
0x4e: {  	_ =	shalt  }
0x4f: {  	_ =	shalt  }
0x50: {  	_ =	shalt  }
0x51: {  	_ =	shalt  }
0x52: {  	_ =	shalt  }
0x53: {  	_ =	shalt  }
0x54: {  	_ =	shalt  }
0x55: {  	_ =	shalt  }
0x56: {  	_ =	shalt  }
0x57: {  	_ =	shalt  }
0x58: {  	_ =	shalt  }
0x59: {  	_ =	shalt  }
0x5a: {  	_ =	shalt  }
0x5b: {  	_ =	shalt  }
0x5c: {  	_ =	shalt  }
0x5d: {  	_ =	shalt  }
0x5e: {  	_ =	shalt  }
0x5f: {  	_ =	shalt  }
0x60: {  	_ =	shalt  }
0x61: {  	_ =	shalt  }
0x62: {  	_ =	shalt  }
0x63: {  	_ =	shalt  }
0x64: {  	_ =	shalt  }
0x65: {  	_ =	shalt  }
0x66: {  	_ =	shalt  }
0x67: {  	_ =	shalt  }
0x68: {  	_ =	shalt  }
0x69: {  	_ =	shalt  }
0x6a: {  	_ =	shalt  }
0x6b: {  	_ =	shalt  }
0x6c: {  	_ =	shalt  }
0x6d: {  	_ =	shalt  }
0x6e: {  	_ =	shalt  }
0x6f: {  	_ =	shalt  }
0x70: {  	_ =	shalt  }
0x71: {  	_ =	shalt  }
0x72: {  	_ =	shalt  }
0x73: {  	_ =	shalt  }
0x74: {  	_ =	shalt  }
0x75: {  	_ =	shalt  }
0x76: {  	_ =	shalt  }
0x77: {  	_ =	shalt  }
0x78: {  	_ =	shalt  }
0x79: {  	_ =	shalt  }
0x7a: {  	_ =	shalt  }
0x7b: {  	_ =	shalt  }
0x7c: {  	_ =	shalt  }
0x7d: {  	_ =	shalt  }
0x7e: {  	_ =	shalt  }
0x7f: {  	_ =	shalt  }
0x80: {  	_ =	shalt  }
0x81: {  	_ =	shalt  }
0x82: {  	_ =	shalt  }
0x83: {  	_ =	shalt  }
0x84: {  	_ =	shalt  }
0x85: {  	_ =	shalt  }
0x86: {  	_ =	shalt  }
0x87: {  	_ =	shalt  }
.Lfunc_end0:
.L_simem_size_0:
called_computation.2_lowered:
.L_overlay_start_0:
0x88: {  	s2 =	sld [smem:$0x3FD9]  }
0x89: {  	s3 =	sld [smem:$0x3FFE];
	_ =	sdelay $0x1  }
0x8a: {  	s1 =	srdreg.scid  }
0x8b: {  	s0 =	sand.u32 $0x1, s1  }
0x8c: {  	s17 =	sshll.u32 s0, $0xA;
	s2 =	sadd.s32 s3, s2  }
0x8d: {  	s2 =	sadd.s32 s2, s17  }
0x8e: {  	[smem:$0x3FC2] =	sst s2  }
0x8f: {  	_ = 	snop  }
0x90: {  	s2 =	sld [smem:$0x3FD0];
	(tm) =	ssettm $0x1  }
0x91: {  	s18 =	sld [smem:$0x3FFB];
	_ =	sdelay $0x3  }
0x92: {  	_ =	strace s18  }
0x93: {  	s3 =	sld [smem:$0x3FFC];
	_ =	sdelay $0x3  }
0x94: {  	_ =	strace s3  }
0x95: {  	s3 =	sld [smem:$0x3FFD];
	_ =	sdelay $0x3  }
0x96: {  	_ =	strace s3  }
0x97: {  	_ =	strace $0x8FFFFFFF  }
0x98: {  	s19 =	sld [smem:$0x3FDB];
	_ =	sdelay $0x1  }
0x99: {  	s4 =	simm.s32 $_scs_section_size  }
0x9a: {  	s5 =	simm.s32 $_size__tile_overlayer_lowered;
	s6 =	simm.s32 $_tile_overlayer_lowered  }
0x9b: {  	s22 =	simm.s32 $0x1BFF;
	s21 =	sshll.u32 s6, $0x1;
	s3 =	sadd.s32 s4, s19  }
0x9c: {  	s7 =	simm.s32 $0x0;
	s20 =	sshll.u32 s5, $0x1;
	s5 =	sadd.s32 s21, s3  }
0x9d: {  	[timem:s7], [sflag:s22] =	dma.local [hbm:s5], s20  }
0x9e: {  	_ =	swait.ge [sflag:s22], s20  }
0x9f: {  	s4 =	ssub.s32 $0x0, s20;
	[sflag:s22] =	ssyncset.done $0x0  }
0xa0: {  	[sflag:s22] =	ssyncadd.s32 s4;
	_ =	sdelay $0x1  }
0xa1: {  	s23 =	simm.s32 $0x1B8B  }
0xa2: {  	_ =	swait.ge [sflag:s23], $0x1  }
0xa3: {  	[sflag:s23] =	ssyncset.done $0x0  }
0xa4: {  	s25 =	simm.s32 $0x1B8E;
	s24 =	sld [smem:$0x3FFE];
	[sflag:s23] =	ssyncadd.s32 $0xFFFFFFFF  }
0xa5: {  	s26 =	simm.s32 $execute0_lowered;
	[smem:$0x3FD2] =	sst s25  }
0xa6: {  	s5 =	sshll.u32 s26, $0x1;
	_ =	strace $0x8000004C;
	[dreg:$0x1] =	wrdreg $0xFFFFFFFF  }
0xa7: {  	s28 =	simm.s32 $_size_execute0_lowered;
	s3 =	sadd.s32 s3, s5;
	[dreg:$0x0] =	wrdreg $0x0  }
0xa8: {  	s5 =	sshll.u32 s28, $0x1;
	[dreg:$0x2] =	wrdreg s3  }
0xa9: {  	[dreg:$0x3] =	wrdreg s5  }
0xaa: {  	[dreg:$0x4] =	wrdreg $0xC0  }
0xab: {  	_ =	task [dreg:s7], $0x5FFFF  }
0xac: {  	[dreg:$0x1] =	wrdreg $0xFFFFFFFF  }
0xad: {  	[dreg:$0x0] =	wrdreg $0x60  }
0xae: {  	[dreg:$0x2] =	wrdreg s2  }
0xaf: {  	[dreg:$0x3] =	wrdreg s24  }
0xb0: {  	[dreg:$0x4] =	wrdreg $0x0  }
0xb1: {  	[dreg:$0x5] =	wrdreg $0x9  }
0xb2: {  	_ =	task.clear_ibuf [dreg:s7], $0x6FFFF;
	_ =	strace $0x9000004C  }
0xb3: {  	s29 =	simm.s32 $0x9;
	_ =	strace $0x8000004E  }
0xb4: {  	_ =	swait.ge [sflag:s29], $0x1  }
0xb5: {  	[sflag:s29] =	ssyncadd.s32 $0xFFFFFFFF  }
0xb6: {  	_ =	strace $0x9000004E  }
0xb7: {  	_ =	sfence  }
0xb8: {  	s30 =	sld [smem:$0x0];
	_ =	sdelay $0x2  }
0xb9: {  	s31 =	sshll.u32 s1, $0xD;
	s1 =	sshrl.u32 s1, $0x2  }
0xba: {  	s3 =	sand.u32 $0x4000, s31;
	s1 =	sadd.s32 s1, s30  }
0xbb: {  	s0 =	sor.u32 s3, s0;
	s1 =	sshll.u32 s1, $0x11  }
0xbc: {  	s0 =	sor.u32 s1, s0  }
0xbd: {  	s0 =	sadd.s32 $0x8F2B, s0  }
0xbe: {  	[sflag:s0] =	ssyncadd.remote.s32 $0x1  }
0xbf: {  	_ =	sfence.sel $0xFFFF  }
0xc0: {  	[dreg:$0x0] =	wrdreg $0xFFFFFFFF;
	(pc) =	sbr.abs _section_cstart, $3  }
0xc1: {  	[dreg:$0x1] =	wrdreg $0xFFFFFFFF  }
0xc2: {  	_ =	task.clear_ibuf [dreg:s7], $0x2FFFF;
	_ =	strace $0x9FFFFFFF  }
0xc3: {  	(tm) =	ssettm $0x7FFFFFFF  }
tec
execute0_lowered:
.L_overlay_start_1:
0x0: {  	(tag) =	ssettag $0x1  }
0x1: {  	s2 =	rddreg [dreg:$0x0]  }
0x2: {  	s5 =	rddreg [dreg:$0x1]  }
0x3: {  	s3 =	rddreg [dreg:$0x2]  }
0x4: {  	s0 =	rddreg [dreg:$0x3]  }
0x5: {  	s1 =	stileid.u32;
	s4 =	simm.s32 $0x0;
	s7 =	srdreg.scid  }
0x6: {  	s16 =	simm.s32 $0x15000;
	s17 =	simm.s32 $0x80;
	s18 =	simm.s32 $0x16400  }
0x7: {  	s19 =	simm.s32 $0x13C80;
	s20 =	simm.s32 $0x1A400;
	s21 =	simm.s32 $0x1  }
0x8: {  	s22 =	simm.s32 $0x2;
	s23 =	simm.s32 $0x16300;
	s24 =	simm.s32 $0x16380  }
0x9: {  	s25 =	simm.s32 $0x0;
	s6 =	smul.u32 $0x13C00, s1;
	[smem:$0x7FF] =	sst s4  }
0xa: {  	s7 =	sand.u32 $0x1, s7;
	s10 =	sadd.s32 $0xC000, s5;
	s11 =	sadd.s32 $0x2000, s5  }
0xb: {  	s29 =	smul.u32 $0x4F000, s1;
	s30 =	sshll.u32 s1, $0x6;
	_ =	strace $0x8000004D  }
0xc: {  	s9 =	smul.u32 $0x13C000, s7;
	s12 =	sshll.u32 s7, $0x4;
	s7 =	ssub.s32 $0x2, s7  }
0xd: {  	s8 =	sshrl.u32 s6, $0x3;
	s12 =	sor.u32 s1, s12;
	s13 =	sshrl.u32 s7, $0x1  }
0xe: {  	s8 =	sadd.s32 s8, s5;
	s6 =	sadd.s32 s6, s9;
	s12 =	smul.u32 $0x2800, s12  }
0xf: {  	s9 =	sshrl.u32 s29, $0x2;
	s13 =	ssub.s32 s7, s13;
	s6 =	sshrl.u32 s6, $0x3  }
0x10: {  	s15 =	sadd.s32 s9, s3;
	s14 =	sadd.s32 s6, s5;
	s31 =	sshrl.u32 s12, $0x3  }
0x11: {  	s5 =	sadd.s32 $0x16000, s8;
	s6 =	sor.u32 $0x1C03, s30;
	s12 =	sadd.s32 $0x280, s31  }
0x12: {  	s7 =	sadd.s32 s10, s31;
	s8 =	sadd.s32 s11, s31;
	s9 =	sadd.s32 s10, s12  }
0x13: {  	s10 =	sadd.s32 s11, s12;
	s11 =	sadd.s32 $0x3D800, s14;
	s12 =	smax.u32 s13, $0x1  }
0x14: {  	s13 =	sshrl.u32 s15, $0x3;
	s14 =	simm.s32 $0x3;
	s15 =	simm.s32 $0x13C00  }
.LBB2_1:
0x15: {  	[spmem:s13], [sflag:s6] =	dma.local [hbm:s5], $0x2780  }
0x16: {  	_ =	swait.ge [sflag:s14], $0x2780  }
0x17: {  	[sflag:s14] =	ssyncset.done $0x0  }
0x18: {  	[sflag:s14] =	ssyncadd.s32 $0xFFFFD880  }
0x19: {  	[bflag:$0x0] =	sbarrier.arrive $0xFFFF  }
0x1a: {  	[tilespmem:s15], [sflag:$0x3] =	stream.linear.gather [hbm4b:s7+s4], $0x1400, $0x38;
	[tilespmem:$0x1E400] =	vst v63  }
0x1b: {  	_ =	swait.ge [sflag:s14], $0x1400  }
0x1c: {  	[sflag:s14] =	ssyncset.done $0x0  }
0x1d: {  	[sflag:s14] =	ssyncadd.s32 $0xFFFFEC00  }
0x1e: {  	[tilespmem:s16], [sflag:$0x3] =	stream.linear.gather [hbm4b:s8+s4], $0x1400, $0x38;
	[tilespmem:$0x1E400] =	vst v63  }
0x1f: {  	_ =	swait.ge [sflag:s14], $0x1400  }
0x20: {  	[sflag:s14] =	ssyncset.done $0x0  }
0x21: {  	[sflag:s14] =	ssyncadd.s32 $0xFFFFEC00  }
0x22: {  	[tilespmem:s18], [sflag:$0x1] =	stream.indirect.gather [hbm4b:s2+s17], $0x80, s15, s17, $0xb8;
	[tilespmem:$0x1E400] =	vst v63  }
0x23: {  	_ = 	snop  }
0x24: {  	[tilespmem:s20], [sflag:$0x2] =	stream.indirect.gather [hbm4b:s2+s17], $0x80, s19, s17, $0xb8;
	[tilespmem:$0x1E400] =	vst v63  }
0x25: {  	_ =	swait.ge [sflag:s21], $0x4000  }
0x26: {  	[sflag:s21] =	ssyncset.done $0x0  }
0x27: {  	s26 =	simm.s32 $0x15000;
	[sflag:s21] =	ssyncadd.s32 $0xFFFFC000  }
0x28: {  	[spmem:s3] =	stream.indirect.scatter.add.f32 [tilespmem:s18], [sflag:$0x3], $0x80, s26, s17, $0xb8;
	[tilespmem:$0x1E400] =	vst v63  }
0x29: {  	_ =	swait.ge [sflag:s14], $0x4000  }
0x2a: {  	[sflag:s14] =	ssyncset.done $0x0  }
0x2b: {  	s30 =	simm.s32 $0x13D00;
	[sflag:s14] =	ssyncadd.s32 $0xFFFFC000  }
0x2c: {  	[tilespmem:s18], [sflag:$0x1] =	stream.indirect.gather [hbm4b:s2+s17], $0x80, s30, s17, $0xb8;
	[tilespmem:$0x1E400] =	vst v63  }
0x2d: {  	_ =	swait.ge [sflag:s22], $0x4000  }
0x2e: {  	[sflag:s22] =	ssyncset.done $0x0  }
0x2f: {  	s31 =	simm.s32 $0x15080;
	[sflag:s22] =	ssyncadd.s32 $0xFFFFC000  }
0x30: {  	[spmem:s3] =	stream.indirect.scatter.add.f32 [tilespmem:s20], [sflag:$0x3], $0x80, s31, s17, $0xb8;
	[tilespmem:$0x1E400] =	vst v63  }
0x31: {  	_ =	swait.ge [sflag:s14], $0x4000  }
0x32: {  	[sflag:s14] =	ssyncset.done $0x0  }
0x33: {  	s28 =	simm.s32 $0x13D80;
	s26 =	simm.s32 $0x400;
	[sflag:s14] =	ssyncadd.s32 $0xFFFFC000  }
.LBB2_2:
0x34: {  	[tilespmem:s20], [sflag:$0x2] =	stream.indirect.gather [hbm4b:s2+s17], $0x80, s28, s17, $0xb8;
	[tilespmem:$0x1E400] =	vst v63  }
0x35: {  	s28 =	smov.u32 s26  }
0x36: {  	p0 =	sne.s32 s26, $0x4800;
	s26 =	sadd.s32 $0x400, s26;
	_ =	swait.ge [sflag:s21], $0x4000  }
0x37: {  	s28 =	sshra.s32 s28, $0x2;
	[sflag:s21] =	ssyncset.done $0x0  }
0x38: {  	s29 =	sadd.s32 $0x15000, s28;
	[sflag:s21] =	ssyncadd.s32 $0xFFFFC000  }
0x39: {  	[spmem:s3] =	stream.indirect.scatter.add.f32 [tilespmem:s18], [sflag:$0x3], $0x80, s29, s17, $0xb8;
	[tilespmem:$0x1E400] =	vst v63  }
0x3a: {  	_ =	swait.ge [sflag:s14], $0x4000  }
0x3b: {  	[sflag:s14] =	ssyncset.done $0x0  }
0x3c: {  	s29 =	sadd.s32 $0x13D00, s28;
	[sflag:s14] =	ssyncadd.s32 $0xFFFFC000  }
0x3d: {  	[tilespmem:s18], [sflag:$0x1] =	stream.indirect.gather [hbm4b:s2+s17], $0x80, s29, s17, $0xb8;
	[tilespmem:$0x1E400] =	vst v63  }
0x3e: {  	_ =	swait.ge [sflag:s22], $0x4000  }
0x3f: {  	[sflag:s22] =	ssyncset.done $0x0  }
.Ltmp0:
0x40: {  	s29 =	sadd.s32 $0x15080, s28;
	[sflag:s22] =	ssyncadd.s32 $0xFFFFC000;
	(pc) =	sbr.rel @p0 .LBB2_2-.Ltmp0, $4  }
0x41: {  	[spmem:s3] =	stream.indirect.scatter.add.f32 [tilespmem:s20], [sflag:$0x3], $0x80, s29, s17, $0xb8;
	[tilespmem:$0x1E400] =	vst v63  }
0x42: {  	_ =	swait.ge [sflag:s14], $0x4000  }
0x43: {  	[sflag:s14] =	ssyncset.done $0x0  }
0x44: {  	s28 =	sadd.s32 $0x13D80, s28;
	[sflag:s14] =	ssyncadd.s32 $0xFFFFC000  }
0x45: {  	[tilespmem:s20], [sflag:$0x2] =	stream.indirect.gather [hbm4b:s2+s17], $0x80, s28, s17, $0xb8;
	[tilespmem:$0x1E400] =	vst v63  }
0x46: {  	_ =	swait.ge [sflag:s21], $0x4000  }
0x47: {  	[sflag:s21] =	ssyncset.done $0x0  }
0x48: {  	[sflag:s21] =	ssyncadd.s32 $0xFFFFC000  }
0x49: {  	[spmem:s3] =	stream.indirect.scatter.add.f32 [tilespmem:s18], [sflag:$0x3], $0x80, s23, s17, $0xb8;
	[tilespmem:$0x1E400] =	vst v63  }
0x4a: {  	_ =	swait.ge [sflag:s14], $0x4000  }
0x4b: {  	[sflag:s14] =	ssyncset.done $0x0  }
0x4c: {  	[sflag:s14] =	ssyncadd.s32 $0xFFFFC000  }
0x4d: {  	_ =	swait.ge [sflag:s22], $0x4000  }
0x4e: {  	[sflag:s22] =	ssyncset.done $0x0  }
0x4f: {  	[sflag:s22] =	ssyncadd.s32 $0xFFFFC000  }
0x50: {  	[spmem:s3] =	stream.indirect.scatter.add.f32 [tilespmem:s20], [sflag:$0x3], $0x80, s24, s17, $0xb8;
	[tilespmem:$0x1E400] =	vst v63  }
0x51: {  	_ =	swait.ge [sflag:s14], $0x4000  }
0x52: {  	[sflag:s14] =	ssyncset.done $0x0  }
0x53: {  	s26 =	simm.s32 $0x0;
	[sflag:s14] =	ssyncadd.s32 $0xFFFFC000  }
0x54: {  	[tilespmem:s15], [sflag:$0x3] =	stream.linear.gather [hbm4b:s9+s26], $0x1400, $0x38;
	[tilespmem:$0x1E400] =	vst v63  }
0x55: {  	_ =	swait.ge [sflag:s14], $0x1400  }
0x56: {  	[sflag:s14] =	ssyncset.done $0x0  }
0x57: {  	[sflag:s14] =	ssyncadd.s32 $0xFFFFEC00  }
0x58: {  	[tilespmem:s16], [sflag:$0x3] =	stream.linear.gather [hbm4b:s10+s26], $0x1400, $0x38;
	[tilespmem:$0x1E400] =	vst v63  }
0x59: {  	_ =	swait.ge [sflag:s14], $0x1400  }
0x5a: {  	[sflag:s14] =	ssyncset.done $0x0  }
0x5b: {  	[sflag:s14] =	ssyncadd.s32 $0xFFFFEC00  }
0x5c: {  	[tilespmem:s18], [sflag:$0x1] =	stream.indirect.gather [hbm4b:s2+s17], $0x80, s15, s17, $0xb8;
	[tilespmem:$0x1E400] =	vst v63  }
0x5d: {  	_ = 	snop  }
0x5e: {  	[tilespmem:s20], [sflag:$0x2] =	stream.indirect.gather [hbm4b:s2+s17], $0x80, s19, s17, $0xb8;
	[tilespmem:$0x1E400] =	vst v63  }
0x5f: {  	_ =	swait.ge [sflag:s21], $0x4000  }
0x60: {  	[sflag:s21] =	ssyncset.done $0x0  }
0x61: {  	s29 =	simm.s32 $0x15000;
	[sflag:s21] =	ssyncadd.s32 $0xFFFFC000  }
0x62: {  	[spmem:s3] =	stream.indirect.scatter.add.f32 [tilespmem:s18], [sflag:$0x3], $0x80, s29, s17, $0xb8;
	[tilespmem:$0x1E400] =	vst v63  }
0x63: {  	_ =	swait.ge [sflag:s14], $0x4000  }
0x64: {  	[sflag:s14] =	ssyncset.done $0x0  }
0x65: {  	s30 =	simm.s32 $0x13D00;
	[sflag:s14] =	ssyncadd.s32 $0xFFFFC000  }
0x66: {  	[tilespmem:s18], [sflag:$0x1] =	stream.indirect.gather [hbm4b:s2+s17], $0x80, s30, s17, $0xb8;
	[tilespmem:$0x1E400] =	vst v63  }
0x67: {  	_ =	swait.ge [sflag:s22], $0x4000  }
0x68: {  	[sflag:s22] =	ssyncset.done $0x0  }
0x69: {  	s31 =	simm.s32 $0x15080;
	[sflag:s22] =	ssyncadd.s32 $0xFFFFC000  }
0x6a: {  	[spmem:s3] =	stream.indirect.scatter.add.f32 [tilespmem:s20], [sflag:$0x3], $0x80, s31, s17, $0xb8;
	[tilespmem:$0x1E400] =	vst v63  }
0x6b: {  	_ =	swait.ge [sflag:s14], $0x4000  }
0x6c: {  	[sflag:s14] =	ssyncset.done $0x0  }
0x6d: {  	s28 =	simm.s32 $0x13D80;
	s26 =	simm.s32 $0x400;
	[sflag:s14] =	ssyncadd.s32 $0xFFFFC000  }
.LBB2_4:
0x6e: {  	[tilespmem:s20], [sflag:$0x2] =	stream.indirect.gather [hbm4b:s2+s17], $0x80, s28, s17, $0xb8;
	[tilespmem:$0x1E400] =	vst v63  }
0x6f: {  	s28 =	smov.u32 s26  }
0x70: {  	p0 =	sne.s32 s26, $0x4800;
	s26 =	sadd.s32 $0x400, s26;
	_ =	swait.ge [sflag:s21], $0x4000  }
0x71: {  	s28 =	sshra.s32 s28, $0x2;
	[sflag:s21] =	ssyncset.done $0x0  }
0x72: {  	s29 =	sadd.s32 $0x15000, s28;
	[sflag:s21] =	ssyncadd.s32 $0xFFFFC000  }
0x73: {  	[spmem:s3] =	stream.indirect.scatter.add.f32 [tilespmem:s18], [sflag:$0x3], $0x80, s29, s17, $0xb8;
	[tilespmem:$0x1E400] =	vst v63  }
0x74: {  	_ =	swait.ge [sflag:s14], $0x4000  }
0x75: {  	[sflag:s14] =	ssyncset.done $0x0  }
0x76: {  	s29 =	sadd.s32 $0x13D00, s28;
	[sflag:s14] =	ssyncadd.s32 $0xFFFFC000  }
0x77: {  	[tilespmem:s18], [sflag:$0x1] =	stream.indirect.gather [hbm4b:s2+s17], $0x80, s29, s17, $0xb8;
	[tilespmem:$0x1E400] =	vst v63  }
0x78: {  	_ =	swait.ge [sflag:s22], $0x4000  }
0x79: {  	[sflag:s22] =	ssyncset.done $0x0  }
.Ltmp1:
0x7a: {  	s29 =	sadd.s32 $0x15080, s28;
	[sflag:s22] =	ssyncadd.s32 $0xFFFFC000;
	(pc) =	sbr.rel @p0 .LBB2_4-.Ltmp1, $4  }
0x7b: {  	[spmem:s3] =	stream.indirect.scatter.add.f32 [tilespmem:s20], [sflag:$0x3], $0x80, s29, s17, $0xb8;
	[tilespmem:$0x1E400] =	vst v63  }
0x7c: {  	_ =	swait.ge [sflag:s14], $0x4000  }
0x7d: {  	[sflag:s14] =	ssyncset.done $0x0  }
0x7e: {  	s28 =	sadd.s32 $0x13D80, s28;
	[sflag:s14] =	ssyncadd.s32 $0xFFFFC000  }
0x7f: {  	[tilespmem:s20], [sflag:$0x2] =	stream.indirect.gather [hbm4b:s2+s17], $0x80, s28, s17, $0xb8;
	[tilespmem:$0x1E400] =	vst v63  }
0x80: {  	_ =	swait.ge [sflag:s21], $0x4000  }
0x81: {  	[sflag:s21] =	ssyncset.done $0x0  }
0x82: {  	[sflag:s21] =	ssyncadd.s32 $0xFFFFC000  }
0x83: {  	[spmem:s3] =	stream.indirect.scatter.add.f32 [tilespmem:s18], [sflag:$0x3], $0x80, s23, s17, $0xb8;
	[tilespmem:$0x1E400] =	vst v63  }
0x84: {  	_ =	swait.ge [sflag:s14], $0x4000  }
0x85: {  	[sflag:s14] =	ssyncset.done $0x0  }
0x86: {  	[sflag:s14] =	ssyncadd.s32 $0xFFFFC000  }
0x87: {  	_ =	swait.ge [sflag:s22], $0x4000  }
0x88: {  	[sflag:s22] =	ssyncset.done $0x0  }
0x89: {  	[sflag:s22] =	ssyncadd.s32 $0xFFFFC000  }
0x8a: {  	[spmem:s3] =	stream.indirect.scatter.add.f32 [tilespmem:s20], [sflag:$0x3], $0x80, s24, s17, $0xb8;
	[tilespmem:$0x1E400] =	vst v63  }
0x8b: {  	_ =	swait.ge [sflag:s14], $0x4000  }
0x8c: {  	s25 =	sadd.s32 $0x1, s25;
	[sflag:s14] =	ssyncset.done $0x0  }
0x8d: {  	p0 =	sne.s32 s25, s12;
	[sflag:s14] =	ssyncadd.s32 $0xFFFFC000  }
.Ltmp2:
0x8e: {  	[bflag:$0x0] =	sbarrier.arrive $0xFFFF;
	(pc) =	sbr.rel @p0 .LBB2_1-.Ltmp2, $4  }
0x8f: {  	[hbm:s11], [sflag:s6] =	dma.local [spmem:s13], $0x2780  }
0x90: {  	_ =	swait.ge [sflag:s14], $0x2780  }
0x91: {  	[sflag:s14] =	ssyncset.done $0x0  }
0x92: {  	[sflag:s14] =	ssyncadd.s32 $0xFFFFD880  }
0x93: {  	_ =	sfence.sel $0x180000  }
0x94: {  	[bflag:$0x0] =	sbarrier.arrive $0xFFFF  }
0x95: {  	p0 =	sne.s32 s1, $0x0;
	_ =	strace $0x9000004D  }
0x96: {  	s0 =	sadd.s32 @!p0 $0x100000, s0;
	[bflag:$0x2] =	sbarrier.arrive $0xFFFF  }
0x97: {  	[sflag:s0] =	ssyncadd.tile.s32 @!p0 $0x1;
	_ =	shalt  }
.Lfunc_end2:
_tile_overlayer_lowered:
.L_overlay_start_2:
0x98: {  	(tag) =	ssettag $0x2  }
0x99: {  	s0 =	rddreg [dreg:$0x0];
	s2 =	stileid.u32  }
0x9a: {  	s1 =	rddreg [dreg:$0x1];
	p0 =	sne.s32 s2, $0x0  }
0x9b: {  	s3 =	rddreg [dreg:$0x2];
	[bflag:$0x3] =	sbarrier.arrive $0xFFFF;
	s2 =	simm.s32 @!p0 $0x1C03  }
0x9c: {  	[timem:s3], [sflag:s2] =	dma.local @!p0 [hbm:s0], s1  }
0x9d: {  	s0 =	simm.s32 @!p0 $0x3  }
0x9e: {  	_ =	swait.ge @!p0 [sflag:s0], s1  }
0x9f: {  	s1 =	ssub.s32 @!p0 $0x0, s1;
	[sflag:s0] =	ssyncset.done @!p0 $0x0  }
0xa0: {  	[sflag:s0] =	ssyncadd.s32 @!p0 s1  }
0xa1: {  	[bflag:$0x3] =	sbarrier.arrive $0xFFFF  }
0xa2: {  	_ =	shalt  }

// kernel: kernel.8.cloned.1.call-start
scs
__scs_entry_jumppad:
0x0: {  	(pc) =	sbr.rel $0x88, $3  }
0x1: {  	(tag) =	ssettag $0x0;
	lr =	simm.s32 $0x1  }
0x2: {  	[smem:$0x3F9B] =	sst lr;
	_ =	strace $0xD0000000  }
0x3: {  	_ = 	snop  }
0x4: {  	_ = 	snop  }
0x5: {  	_ = 	snop  }
0x6: {  	_ = 	snop  }
0x7: {  	_ = 	snop  }
__scs_overlays_trampoline_lowered:
0x8: {  	[smem:$0x3FAA] =	sst s0  }
0x9: {  	[smem:$0x3FAB] =	sst s1  }
0xa: {  	[smem:$0x3FAC] =	sst s2  }
0xb: {  	[smem:$0x3FAD] =	sst s3  }
0xc: {  	[smem:$0x3FAE] =	sst s4  }
0xd: {  	[smem:$0x3FAF] =	sst s5  }
0xe: {  	[smem:$0x3FB0] =	sst s6  }
0xf: {  	[smem:$0x3FB1] =	sst s7  }
0x10: {  	[smem:$0x3FB2] =	sst s8  }
0x11: {  	[smem:$0x3FB3] =	sst s9;
	s0 =	simm.s32 @!p0 $0x0  }
0x12: {  	s1 =	sld [smem:$0x3F99];
	s0 =	simm.s32 @p0 $0x1  }
0x13: {  	[smem:$0x3FB4] =	sst s0;
	s0 =	simm.s32 @!p1 $0x0  }
0x14: {  	s2 =	sld [smem:$0x3F98];
	s0 =	simm.s32 @p1 $0x1  }
0x15: {  	[smem:$0x3FB5] =	sst s0;
	s0 =	simm.s32 @!p2 $0x0  }
0x16: {  	s3 =	sld [smem:$0x3FDB];
	s0 =	simm.s32 @p2 $0x1  }
0x17: {  	s4 =	simm.s32 $0x1BF5;
	[smem:$0x3FB7] =	sst s0  }
0x18: {  	s0 =	sld [smem:$0x3F9A];
	_ =	swait.ge [sflag:s4], $0x0  }
0x19: {  	s7 =	sld [smem:$0x3F9B]  }
0x1a: {  	s8 =	sadd.s32 $0xFFFFE003, lr  }
0x1b: {  	s9 =	sadd.s32 $0xFFFFFEF7, lr;
	s5 =	simm.s32 $0xFFFFFFFF;
	p2 =	slt.u32 s8, $0xFFFFF086  }
0x1c: {  	p1 =	slt.u32 s9, $0xF7A;
	s5 =	simm.s32 @!p2 $0x0  }
0x1d: {  	s5 =	simm.s32 @p1 $0x1;
	p0 =	seq.s32 s7, s2  }
0x1e: {  	s7 =	smul.u32 @!p0 $0xF7A, s2;
	p2 =	seq.s32 @!p0 s5, $0x0  }
0x1f: {  	s9 =	smul.u32 $0xF7A, s1;
	s8 =	simm.s32 @!p0 $0x1BF5;
	p2 =	por !p2, p0  }
0x20: {  	[sflag:s8] =	ssyncset.s32 @!p0 $0xFFFFF086;
	s6 =	sadd.s32 @!p0 s3, s7;
	s7 =	simm.s32 @!p0 $0x108  }
0x21: {  	s3 =	sadd.s32 s3, s9;
	s6 =	sadd.s32 @!p0 $0x88, s6;
	s7 =	simm.s32 @p2 $0x1082  }
0x22: {  	[simem:s7], [sflag:s8] =	dma.local @!p0 [hbm:s6], $0xF7A  }
0x23: {  	s9 =	sor.u32 $0xD0000000, s2;
	s6 =	simm.s32 $0x108;
	_ =	swait.ge @!p0 [sflag:s8], $0x0  }
0x24: {  	s3 =	sadd.s32 $0x88, s3;
	s6 =	simm.s32 @!p1 $0x1082;
	[sflag:s4] =	ssyncset.s32 $0xFFFFF086  }
0x25: {  	[simem:s6], [sflag:s4] =	dma.local [hbm:s3], $0xF7A  }
0x26: {  	[smem:$0x3F9B] =	sst s1;
	(tag) =	ssettag s2;
	_ =	strace s9  }
0x27: {  	s1 =	sld [smem:$0x3FAB]  }
0x28: {  	s2 =	sld [smem:$0x3FAC]  }
0x29: {  	s4 =	sld [smem:$0x3FAE]  }
0x2a: {  	p0 =	seq.s32 s5, $0x0;
	s5 =	sld [smem:$0x3FAF]  }
0x2b: {  	s6 =	sld [smem:$0x3FB0]  }
0x2c: {  	s7 =	sld [smem:$0x3FB1]  }
0x2d: {  	s3 =	simm.s32 $0x108;
	s8 =	sld [smem:$0x3FB2]  }
0x2e: {  	s3 =	simm.s32 @!p0 $0x1082;
	s9 =	sld [smem:$0x3FB3]  }
0x2f: {  	lr =	sadd.s32 s0, s3;
	s0 =	sld [smem:$0x3FAA]  }
0x30: {  	s3 =	sld [smem:$0x3FAD]  }
0x31: {  	[smem:$0x3FB6] =	sst s10  }
0x32: {  	s10 =	sld [smem:$0x3FB4];
	_ =	sdelay $0x3  }
0x33: {  	p0 =	seq.s32 s10, $0x1;
	s10 =	sld [smem:$0x3FB6];
	_ =	sdelay $0x3  }
0x34: {  	[smem:$0x3FB6] =	sst s10  }
0x35: {  	s10 =	sld [smem:$0x3FB5];
	_ =	sdelay $0x3  }
0x36: {  	p1 =	seq.s32 s10, $0x1;
	s10 =	sld [smem:$0x3FB6];
	_ =	sdelay $0x3  }
0x37: {  	[smem:$0x3FB6] =	sst s10  }
0x38: {  	s10 =	sld [smem:$0x3FB7]  }
0x39: {  	_ = 	snop;
	(pc) =	sbr.ind lr, $3  }
0x3a: {  	_ = 	snop  }
0x3b: {  	_ = 	snop  }
0x3c: {  	p2 =	seq.s32 s10, $0x1;
	s10 =	sld [smem:$0x3FB6]  }
0x3d: {  	_ =	shalt  }
0x3e: {  	_ =	shalt  }
0x3f: {  	_ =	shalt  }
0x40: {  	_ =	shalt  }
0x41: {  	_ =	shalt  }
0x42: {  	_ =	shalt  }
0x43: {  	_ =	shalt  }
0x44: {  	_ =	shalt  }
0x45: {  	_ =	shalt  }
0x46: {  	_ =	shalt  }
0x47: {  	_ =	shalt  }
0x48: {  	_ =	shalt  }
0x49: {  	_ =	shalt  }
0x4a: {  	_ =	shalt  }
0x4b: {  	_ =	shalt  }
0x4c: {  	_ =	shalt  }
0x4d: {  	_ =	shalt  }
0x4e: {  	_ =	shalt  }
0x4f: {  	_ =	shalt  }
0x50: {  	_ =	shalt  }
0x51: {  	_ =	shalt  }
0x52: {  	_ =	shalt  }
0x53: {  	_ =	shalt  }
0x54: {  	_ =	shalt  }
0x55: {  	_ =	shalt  }
0x56: {  	_ =	shalt  }
0x57: {  	_ =	shalt  }
0x58: {  	_ =	shalt  }
0x59: {  	_ =	shalt  }
0x5a: {  	_ =	shalt  }
0x5b: {  	_ =	shalt  }
0x5c: {  	_ =	shalt  }
0x5d: {  	_ =	shalt  }
0x5e: {  	_ =	shalt  }
0x5f: {  	_ =	shalt  }
0x60: {  	_ =	shalt  }
0x61: {  	_ =	shalt  }
0x62: {  	_ =	shalt  }
0x63: {  	_ =	shalt  }
0x64: {  	_ =	shalt  }
0x65: {  	_ =	shalt  }
0x66: {  	_ =	shalt  }
0x67: {  	_ =	shalt  }
0x68: {  	_ =	shalt  }
0x69: {  	_ =	shalt  }
0x6a: {  	_ =	shalt  }
0x6b: {  	_ =	shalt  }
0x6c: {  	_ =	shalt  }
0x6d: {  	_ =	shalt  }
0x6e: {  	_ =	shalt  }
0x6f: {  	_ =	shalt  }
0x70: {  	_ =	shalt  }
0x71: {  	_ =	shalt  }
0x72: {  	_ =	shalt  }
0x73: {  	_ =	shalt  }
0x74: {  	_ =	shalt  }
0x75: {  	_ =	shalt  }
0x76: {  	_ =	shalt  }
0x77: {  	_ =	shalt  }
0x78: {  	_ =	shalt  }
0x79: {  	_ =	shalt  }
0x7a: {  	_ =	shalt  }
0x7b: {  	_ =	shalt  }
0x7c: {  	_ =	shalt  }
0x7d: {  	_ =	shalt  }
0x7e: {  	_ =	shalt  }
0x7f: {  	_ =	shalt  }
0x80: {  	_ =	shalt  }
0x81: {  	_ =	shalt  }
0x82: {  	_ =	shalt  }
0x83: {  	_ =	shalt  }
0x84: {  	_ =	shalt  }
0x85: {  	_ =	shalt  }
0x86: {  	_ =	shalt  }
0x87: {  	_ =	shalt  }
.Lfunc_end0:
.L_simem_size_0:
called_computation_lowered:
.L_overlay_start_0:
0x88: {  	s2 =	sld [smem:$0x3FD9]  }
0x89: {  	s3 =	sld [smem:$0x3FFE];
	_ =	sdelay $0x1  }
0x8a: {  	s1 =	srdreg.scid  }
0x8b: {  	s0 =	sand.u32 $0x1, s1  }
0x8c: {  	s16 =	sshll.u32 s0, $0xA;
	s2 =	sadd.s32 s3, s2  }
0x8d: {  	s2 =	sadd.s32 s2, s16  }
0x8e: {  	[smem:$0x3FC2] =	sst s2  }
0x8f: {  	_ = 	snop  }
0x90: {  	(tm) =	ssettm $0x1  }
0x91: {  	s17 =	sld [smem:$0x3FFB];
	_ =	sdelay $0x3  }
0x92: {  	_ =	strace s17  }
0x93: {  	s2 =	sld [smem:$0x3FFC];
	_ =	sdelay $0x3  }
0x94: {  	_ =	strace s2  }
0x95: {  	s2 =	sld [smem:$0x3FFD];
	_ =	sdelay $0x3  }
0x96: {  	_ =	strace s2  }
0x97: {  	_ =	strace $0x8FFFFFFF  }
0x98: {  	s18 =	sld [smem:$0x3FDB];
	_ =	sdelay $0x1  }
0x99: {  	s19 =	simm.s32 $_scs_section_size  }
0x9a: {  	s4 =	simm.s32 $_size__tile_overlayer_lowered;
	s5 =	simm.s32 $_tile_overlayer_lowered  }
0x9b: {  	s22 =	simm.s32 $0x1BFF;
	s21 =	sshll.u32 s5, $0x1;
	s2 =	sadd.s32 s19, s18  }
0x9c: {  	s6 =	simm.s32 $0x0;
	s20 =	sshll.u32 s4, $0x1;
	s4 =	sadd.s32 s21, s2  }
0x9d: {  	[timem:s6], [sflag:s22] =	dma.local [hbm:s4], s20  }
0x9e: {  	_ =	swait.ge [sflag:s22], s20  }
0x9f: {  	s3 =	ssub.s32 $0x0, s20;
	[sflag:s22] =	ssyncset.done $0x0  }
0xa0: {  	[sflag:s22] =	ssyncadd.s32 s3;
	_ =	sdelay $0x1  }
0xa1: {  	s23 =	simm.s32 $0x1B8B  }
0xa2: {  	_ =	swait.ge [sflag:s23], $0x1  }
0xa3: {  	[sflag:s23] =	ssyncset.done $0x0  }
0xa4: {  	s25 =	simm.s32 $0x1B8E;
	s24 =	sld [smem:$0x3FFE];
	[sflag:s23] =	ssyncadd.s32 $0xFFFFFFFF  }
0xa5: {  	s26 =	simm.s32 $execute0_lowered;
	[smem:$0x3FD2] =	sst s25  }
0xa6: {  	s4 =	sshll.u32 s26, $0x1;
	_ =	strace $0x80000046;
	[dreg:$0x1] =	wrdreg $0xFFFFFFFF  }
0xa7: {  	s28 =	simm.s32 $_size_execute0_lowered;
	s2 =	sadd.s32 s2, s4;
	[dreg:$0x0] =	wrdreg $0x0  }
0xa8: {  	s4 =	sshll.u32 s28, $0x1;
	[dreg:$0x2] =	wrdreg s2  }
0xa9: {  	[dreg:$0x3] =	wrdreg s4  }
0xaa: {  	[dreg:$0x4] =	wrdreg $0xC0  }
0xab: {  	_ =	task [dreg:s6], $0x5FFFF  }
0xac: {  	[dreg:$0x1] =	wrdreg $0xFFFFFFFF  }
0xad: {  	[dreg:$0x0] =	wrdreg $0x60  }
0xae: {  	[dreg:$0x2] =	wrdreg s24  }
0xaf: {  	[dreg:$0x3] =	wrdreg $0x0  }
0xb0: {  	[dreg:$0x4] =	wrdreg $0x9  }
0xb1: {  	_ =	task.clear_ibuf [dreg:s6], $0x5FFFF;
	_ =	strace $0x90000046  }
0xb2: {  	s29 =	simm.s32 $0x9;
	_ =	strace $0x80000048  }
0xb3: {  	_ =	swait.ge [sflag:s29], $0x1  }
0xb4: {  	[sflag:s29] =	ssyncadd.s32 $0xFFFFFFFF  }
0xb5: {  	_ =	strace $0x90000048  }
0xb6: {  	_ =	sfence  }
0xb7: {  	s30 =	sld [smem:$0x0];
	_ =	sdelay $0x2  }
0xb8: {  	s31 =	sshll.u32 s1, $0xD;
	s1 =	sshrl.u32 s1, $0x2  }
0xb9: {  	s3 =	sand.u32 $0x4000, s31;
	s1 =	sadd.s32 s1, s30  }
0xba: {  	s0 =	sor.u32 s3, s0;
	s1 =	sshll.u32 s1, $0x11  }
0xbb: {  	s0 =	sor.u32 s1, s0  }
0xbc: {  	s0 =	sadd.s32 $0x8F2B, s0  }
0xbd: {  	[sflag:s0] =	ssyncadd.remote.s32 $0x1  }
0xbe: {  	_ =	sfence.sel $0xFFFF  }
0xbf: {  	[dreg:$0x0] =	wrdreg $0xFFFFFFFF;
	(pc) =	sbr.abs _section_cstart, $3  }
0xc0: {  	[dreg:$0x1] =	wrdreg $0xFFFFFFFF  }
0xc1: {  	_ =	task.clear_ibuf [dreg:s6], $0x2FFFF;
	_ =	strace $0x9FFFFFFF  }
0xc2: {  	(tm) =	ssettm $0x7FFFFFFF  }
0xc3: {  	_ =	shalt  }
tec
execute0_lowered:
.L_overlay_start_1:
0x0: {  	(tag) =	ssettag $0x1  }
0x1: {  	s1 =	srdreg.scid  }
0x2: {  	s1 =	sand.u32 $0x1, s1  }
0x3: {  	p0 =	seq.s32 s1, $0x1  }
.Ltmp0:
0x4: {  	_ = 	snop;
	(pc) =	sbr.rel @p0 .LBB2_6-.Ltmp0, $4  }
0x5: {  	s2 =	rddreg [dreg:$0x0]  }
0x6: {  	s3 =	rddreg [dreg:$0x1];
	s4 =	simm.s32 $0x0  }
0x7: {  	[smem:$0x7FF] =	sst s4  }
0x8: {  	s0 =	rddreg [dreg:$0x2];
	_ =	strace $0x80000047;
	s1 =	stileid.u32  }
0x9: {  	v0 =	vimm.f32 $1.000000000e+00  }
0xa: {  	[tilespmem:$0x5278] =	vst v0  }
0xb: {  	[tilespmem:$0x5288] =	vst v0  }
0xc: {  	[tilespmem:$0x5298] =	vst v0  }
0xd: {  	[tilespmem:$0x52A8] =	vst v0  }
0xe: {  	[tilespmem:$0x52B8] =	vst v0  }
0xf: {  	[tilespmem:$0x52C8] =	vst v0  }
0x10: {  	[tilespmem:$0x52D8] =	vst v0  }
0x11: {  	v63 =	vimm.f32 $0.0e+00;
	[tilespmem:$0x52E8] =	vst v0  }
0x12: {  	[tilespmem:$0x52F8] =	vst v63  }
0x13: {  	[tilespmem:$0x5308] =	vst v63  }
0x14: {  	[tilespmem:$0x5318] =	vst v63  }
0x15: {  	[tilespmem:$0x5328] =	vst v63  }
0x16: {  	[tilespmem:$0x5338] =	vst v63  }
0x17: {  	[tilespmem:$0x5348] =	vst v63  }
0x18: {  	[tilespmem:$0x5358] =	vst v63  }
0x19: {  	[tilespmem:$0x5368] =	vst v63  }
0x1a: {  	[tilespmem:$0x5378] =	vst v63  }
0x1b: {  	[tilespmem:$0x5388] =	vst v63  }
0x1c: {  	[tilespmem:$0x5398] =	vst v63  }
0x1d: {  	[tilespmem:$0x53A8] =	vst v63  }
0x1e: {  	[tilespmem:$0x53B8] =	vst v63  }
0x1f: {  	[tilespmem:$0x53C8] =	vst v63  }
0x20: {  	[tilespmem:$0x53D8] =	vst v63  }
0x21: {  	[tilespmem:$0x53E8] =	vst v63  }
0x22: {  	[tilespmem:$0x53F8] =	vst v63  }
0x23: {  	[tilespmem:$0x5408] =	vst v63  }
0x24: {  	[tilespmem:$0x5418] =	vst v63  }
0x25: {  	[tilespmem:$0x5428] =	vst v63  }
0x26: {  	[tilespmem:$0x5438] =	vst v63  }
0x27: {  	[tilespmem:$0x5448] =	vst v63  }
0x28: {  	[tilespmem:$0x5458] =	vst v63  }
0x29: {  	[tilespmem:$0x5468] =	vst v63  }
0x2a: {  	[tilespmem:$0x5478] =	vst v63  }
0x2b: {  	[tilespmem:$0x5488] =	vst v63  }
0x2c: {  	[tilespmem:$0x5498] =	vst v63  }
0x2d: {  	[tilespmem:$0x54A8] =	vst v63  }
0x2e: {  	[tilespmem:$0x54B8] =	vst v63  }
0x2f: {  	[tilespmem:$0x54C8] =	vst v63  }
0x30: {  	[tilespmem:$0x54D8] =	vst v63  }
0x31: {  	[tilespmem:$0x54E8] =	vst v63  }
0x32: {  	[tilespmem:$0x54F8] =	vst v63  }
0x33: {  	[tilespmem:$0x5508] =	vst v63  }
0x34: {  	[tilespmem:$0x5518] =	vst v63  }
0x35: {  	[tilespmem:$0x5528] =	vst v63  }
0x36: {  	s5 =	smul.u32 $0x9E0, s1;
	[tilespmem:$0x5538] =	vst v63  }
0x37: {  	[tilespmem:$0x5548] =	vst v63  }
0x38: {  	[tilespmem:$0x5558] =	vst v63;
	s5 =	sshrl.u32 s5, $0x2  }
0x39: {  	s6 =	simm.s32 $0x52F8;
	[tilespmem:$0x5560] =	vst v63;
	s5 =	sadd.s32 s5, s3  }
0x3a: {  	[spmem:s5] =	stream.linear.scatter [tilespmem:s6], [sflag:$0x1], $0x278, $0x38;
	[tilespmem:$0x193F8] =	vst v63  }
0x3b: {  	s6 =	simm.s32 $0x1  }
0x3c: {  	s7 =	smul.u32 $0xA00, s1;
	_ =	swait.ge [sflag:s6], $0x278  }
0x3d: {  	s8 =	sadd.s32 $0x2000, s2;
	[sflag:s6] =	ssyncset.done $0x0  }
0x3e: {  	s29 =	simm.s32 $0x278;
	s7 =	sadd.s32 s8, s7;
	[sflag:s6] =	ssyncadd.s32 $0xFFFFFD88  }
0x3f: {  	[tilespmem:s29], [sflag:$0x1] =	stream.linear.gather [hbm4b:s7+s4], $0x5000, $0x38;
	[tilespmem:$0x193F8] =	vst v63  }
0x40: {  	s30 =	smul.u32 $0x2780, s1;
	_ =	swait.ge [sflag:s6], $0x5000  }
0x41: {  	[sflag:s6] =	ssyncset.done $0x0  }
0x42: {  	s9 =	simm.s32 $0x278;
	s31 =	sadd.s32 s30, s2;
	[sflag:s6] =	ssyncadd.s32 $0xFFFFB000  }
0x43: {  	s4 =	simm.s32 $0x80;
	s7 =	simm.s32 $0x5278;
	[bflag:$0x0] =	sbarrier.arrive $0xFFFF  }
0x44: {  	[spmem:s3] =	stream.indirect.scatter.add.f32 [tilespmem:s7], [sflag:$0x1], $0x1, s9, s4, $0xb8;
	[tilespmem:$0x193F8] =	vst v63  }
0x45: {  	s8 =	simm.s32 $0x200;
	s2 =	sadd.s32 $0x16000, s31;
	_ =	swait.ge [sflag:s6], $0x80  }
.LBB2_2:
0x46: {  	s9 =	sshra.s32 s8, $0x2;
	[sflag:s6] =	ssyncset.done $0x0;
	p0 =	sne.s32 s8, $0x13E00  }
.Ltmp1:
0x47: {  	s9 =	sadd.s32 $0x278, s9;
	[sflag:s6] =	ssyncadd.s32 $0xFFFFFF80;
	(pc) =	sbr.rel @p0 .LBB2_2-.Ltmp1, $3  }
0x48: {  	[spmem:s3] =	stream.indirect.scatter.add.f32 [tilespmem:s7], [sflag:$0x1], $0x1, s9, s4, $0xb8;
	[tilespmem:$0x193F8] =	vst v63  }
0x49: {  	s8 =	sadd.s32 $0x200, s8;
	_ =	sdelay $0x1  }
0x4a: {  	_ =	swait.ge [sflag:s6], $0x80  }
0x4b: {  	[sflag:s6] =	ssyncset.done $0x0  }
0x4c: {  	s4 =	simm.s32 $0x0;
	[sflag:s6] =	ssyncadd.s32 $0xFFFFFF80  }
0x4d: {  	s3 =	simm.s32 $0x5578;
	s30 =	simm.s32 $0x1;
	v2 =	vmov s4;
	[bflag:$0x0] =	sbarrier.arrive $0xFFFF  }
0x4e: {  	[tilespmem:s3], [sflag:$0x1] =	stream.linear.gather [spmem:s5], $0x278, $0x38;
	[tilespmem:$0x193F8] =	vst v63  }
0x4f: {  	_ =	swait.ge [sflag:s30], $0x278  }
0x50: {  	[sflag:s30] =	ssyncset.done $0x0  }
0x51: {  	v0 =	vlaneseq.u32;
	v9 =	vshll.u32 v2, $0x7;
	[sflag:s30] =	ssyncadd.s32 $0xFFFFFD88  }
0x52: {  	v1 =	vor.u32 $0x10, v0;
	v8 =	vor.u32 v0, v9;
	v7 =	vld.idx.msk [tilespmem:v2+s3+$0x0], $0xffff  }
0x53: {  	v10 =	vor.u32 v1, v9;
	v2 =	vor.u32 $0x20, v0  }
0x54: {  	v3 =	vor.u32 $0x30, v0;
	v11 =	vor.u32 v2, v9  }
0x55: {  	v4 =	vor.u32 $0x40, v0;
	v12 =	vor.u32 v3, v9  }
0x56: {  	s4 =	simm.s32 $0x57F8;
	v5 =	vor.u32 $0x50, v0;
	v13 =	vor.u32 v4, v9  }
0x57: {  	v6 =	vor.u32 $0x60, v0;
	v14 =	vor.u32 v5, v9;
	[tilespmem:v8+s4+$0x0] =	vst.idx.msk $0xffff, v7  }
0x58: {  	v15 =	vor.u32 v6, v9;
	v8 =	vor.u32 $0x70, v0;
	[tilespmem:v10+s4+$0x0] =	vst.idx.msk $0xffff, v7  }
0x59: {  	s31 =	simm.s32 $0x1;
	[tilespmem:v11+s4+$0x0] =	vst.idx.msk $0xffff, v7;
	v11 =	vor.u32 v8, v9  }
0x5a: {  	v10 =	vmov s31;
	[tilespmem:v12+s4+$0x0] =	vst.idx.msk $0xffff, v7  }
0x5b: {  	[tilespmem:v13+s4+$0x0] =	vst.idx.msk $0xffff, v7  }
0x5c: {  	[tilespmem:v14+s4+$0x0] =	vst.idx.msk $0xffff, v7  }
0x5d: {  	s5 =	simm.s32 $0x2;
	v9 =	vshll.u32 v10, $0x7;
	[tilespmem:v15+s4+$0x0] =	vst.idx.msk $0xffff, v7  }
.LBB2_4:
0x5e: {  	p0 =	sne.s32 s5, $0x277;
	[tilespmem:v11+s4+$0x0] =	vst.idx.msk $0xffff, v7;
	s6 =	smov.u32 s5;
	s5 =	sadd.s32 $0x1, s5  }
0x5f: {  	v7 =	vld.idx.msk [tilespmem:v10+s3+$0x0], $0xffff  }
0x60: {  	v10 =	vor.u32 v0, v9  }
0x61: {  	v11 =	vor.u32 v1, v9  }
0x62: {  	v12 =	vor.u32 v2, v9  }
0x63: {  	v13 =	vor.u32 v3, v9  }
0x64: {  	v14 =	vor.u32 v4, v9  }
0x65: {  	v15 =	vor.u32 v5, v9;
	[tilespmem:v10+s4+$0x0] =	vst.idx.msk $0xffff, v7  }
0x66: {  	v16 =	vor.u32 v6, v9;
	[tilespmem:v11+s4+$0x0] =	vst.idx.msk $0xffff, v7  }
.Ltmp2:
0x67: {  	v11 =	vor.u32 v8, v9;
	[tilespmem:v12+s4+$0x0] =	vst.idx.msk $0xffff, v7;
	(pc) =	sbr.rel @p0 .LBB2_4-.Ltmp2, $4  }
0x68: {  	v10 =	vmov s6;
	[tilespmem:v13+s4+$0x0] =	vst.idx.msk $0xffff, v7  }
0x69: {  	v9 =	vshll.u32 v10, $0x7;
	[tilespmem:v14+s4+$0x0] =	vst.idx.msk $0xffff, v7  }
0x6a: {  	[tilespmem:v15+s4+$0x0] =	vst.idx.msk $0xffff, v7  }
0x6b: {  	[tilespmem:v16+s4+$0x0] =	vst.idx.msk $0xffff, v7  }
0x6c: {  	_ =	sdelay $0x3  }
0x6d: {  	[tilespmem:v11+s4+$0x0] =	vst.idx.msk $0xffff, v7  }
0x6e: {  	v0 =	vor.u32 v0, v9;
	v7 =	vld.idx.msk [tilespmem:v10+s3+$0x0], $0xffff  }
0x6f: {  	v1 =	vor.u32 v1, v9  }
0x70: {  	v2 =	vor.u32 v2, v9  }
0x71: {  	v3 =	vor.u32 v3, v9  }
0x72: {  	v4 =	vor.u32 v4, v9  }
0x73: {  	v61 =	vor.u32 v5, v9;
	[tilespmem:v0+s4+$0x0] =	vst.idx.msk $0xffff, v7  }
0x74: {  	v62 =	vor.u32 v6, v9;
	[tilespmem:v1+s4+$0x0] =	vst.idx.msk $0xffff, v7  }
0x75: {  	v63 =	vor.u32 v8, v9;
	[tilespmem:v2+s4+$0x0] =	vst.idx.msk $0xffff, v7  }
0x76: {  	[tilespmem:v3+s4+$0x0] =	vst.idx.msk $0xffff, v7  }
0x77: {  	[tilespmem:v4+s4+$0x0] =	vst.idx.msk $0xffff, v7  }
0x78: {  	[tilespmem:v61+s4+$0x0] =	vst.idx.msk $0xffff, v7  }
0x79: {  	[tilespmem:v62+s4+$0x0] =	vst.idx.msk $0xffff, v7  }
0x7a: {  	s29 =	simm.s32 $0x0;
	s30 =	simm.s32 $0x57F8;
	s31 =	simm.s32 $0x1;
	[tilespmem:v63+s4+$0x0] =	vst.idx.msk $0xffff, v7  }
0x7b: {  	[hbm4b:s2+s29] =	stream.linear.scatter [tilespmem:s30], [sflag:$0x1], $0x13C00, $0x38;
	[tilespmem:$0x193F8] =	vst v63  }
0x7c: {  	_ =	swait.ge [sflag:s31], $0x13C00  }
0x7d: {  	[sflag:s31] =	ssyncset.done $0x0  }
0x7e: {  	[sflag:s31] =	ssyncadd.s32 $0xFFFEC400  }
.LBB2_6:
0x7f: {  	_ =	sfence.sel $0x180000  }
0x80: {  	[bflag:$0x0] =	sbarrier.arrive $0xFFFF  }
0x81: {  	p0 =	sne.s32 s1, $0x0;
	_ =	strace $0x90000047  }
0x82: {  	s0 =	sadd.s32 @!p0 $0x100000, s0;
	[bflag:$0x2] =	sbarrier.arrive $0xFFFF  }
0x83: {  	[sflag:s0] =	ssyncadd.tile.s32 @!p0 $0x1;
	_ =	shalt  }
.Lfunc_end2:
_tile_overlayer_lowered:
.L_overlay_start_2:
0x84: {  	(tag) =	ssettag $0x2  }
0x85: {  	s0 =	rddreg [dreg:$0x0];
	s2 =	stileid.u32  }
0x86: {  	s1 =	rddreg [dreg:$0x1];
	p0 =	sne.s32 s2, $0x0  }
0x87: {  	s3 =	rddreg [dreg:$0x2];
	[bflag:$0x3] =	sbarrier.arrive $0xFFFF;
	s2 =	simm.s32 @!p0 $0x1C01  }
0x88: {  	[timem:s3], [sflag:s2] =	dma.local @!p0 [hbm:s0], s1  }
0x89: {  	s0 =	simm.s32 @!p0 $0x1  }
0x8a: {  	_ =	swait.ge @!p0 [sflag:s0], s1  }
0x8b: {  	s1 =	ssub.s32 @!p0 $0x0, s1;
	[sflag:s0] =	ssyncset.done @!p0 $0x0  }
0x8c: {  	[sflag:s0] =	ssyncadd.s32 @!p0 s1  }
0x8d: {  	[bflag:$0x3] =	sbarrier.arrive $0xFFFF  }
0x8e: {  	_ =	shalt  }

</sc_bundles>
